<compile_context>
chip_gen: v7x
topology: tpu7x:2x2x1
jax: 0.10.2.dev20260603
libtpu: 0.0.44.dev20260713+nightly
codegen_flags: <defaults>
</compile_context>

<pallas_src>
import functools

import jax
import jax.numpy as jnp
from jax import lax
from jax.experimental import pallas as pl
from jax.experimental.pallas import tpu as pltpu
from jax.experimental.pallas import tpu_sc as plsc

_EMBED_DIM = 128
_MAX_TIME_DIFF = 10.0
_NUM_TIME_BINS = 1024
_N = 1048576

_NC = 2
_NS = 16
_NW = _NC * _NS
_L = 16

_B_PER_W = _N // _NW
_CHUNK = 256
_N_CHUNKS = _B_PER_W // _CHUNK
assert _N_CHUNKS * _CHUNK == _B_PER_W and _N_CHUNKS % 2 == 0
_SCALE = (_NUM_TIME_BINS - 1) / _MAX_TIME_DIFF
_STEP = _MAX_TIME_DIFF / (_NUM_TIME_BINS - 1)


def _compute_idx(td_ref, coff, idx_ref):

    def vec_body(vi, c):
        off = vi * _L
        v = td_ref[pl.ds(coff + off, _L)]
        v = jnp.minimum(jnp.maximum(v, 0.0), _MAX_TIME_DIFF)
        gf = v * _SCALE
        gi = gf.astype(jnp.int32)
        gi = jnp.where(gi.astype(jnp.float32) < gf, gi + 1, gi)
        gi = jnp.clip(gi, 0, _NUM_TIME_BINS - 1)
        gif = gi.astype(jnp.float32)
        bu = gif * _STEP
        gi = jnp.where(bu < v, jnp.minimum(gi + 1, _NUM_TIME_BINS - 1), gi)
        bl = (gi.astype(jnp.float32) - 1.0) * _STEP
        gi = jnp.where((gi >= 1) & (bl >= v), gi - 1, gi)
        idx_ref[pl.ds(off, _L)] = gi
        return c

    lax.fori_loop(0, _CHUNK // _L, vec_body, 0)


def _sc_body(td_hbm, table_hbm, out_hbm, td_all, idx0_v, idx1_v, rows_v,
             table_spm, gsem0, gsem1, ssem0, ssem1):
    sid = lax.axis_index("s")
    wid = sid * _NC + lax.axis_index("c")
    base = wid * _B_PER_W
    gsem = (gsem0, gsem1)
    ssem = (ssem0, ssem1)
    idx_b = (idx0_v, idx1_v)

    @pl.when(sid == 0)
    def _():
        pltpu.sync_copy(table_hbm, table_spm)

    pltpu.sync_copy(td_hbm.at[pl.ds(base, _B_PER_W)], td_all)
    plsc.subcore_barrier()

    def prep(ci, b):
        _compute_idx(td_all, ci * _CHUNK, idx_b[b])
        pltpu.async_copy(table_spm.at[idx_b[b]], rows_v.at[b], gsem[b])

    def wait_gather(b):
        pltpu.make_async_copy(table_spm.at[idx_b[b]], rows_v.at[b],
                              gsem[b]).wait()

    def start_store(ci, b):
        pltpu.async_copy(rows_v.at[b],
                         out_hbm.at[pl.ds(base + ci * _CHUNK, _CHUNK)],
                         ssem[b])

    def wait_store(b):
        pltpu.make_async_copy(rows_v.at[b],
                              out_hbm.at[pl.ds(base, _CHUNK)],
                              ssem[b]).wait()

    prep(0, 0)

    def outer_body(oi, carry):
        for b in range(2):
            ci = oi * 2 + b
            nxt = ci + 1
            nb = 1 - b

            @pl.when(nxt < _N_CHUNKS)
            def _():
                _compute_idx(td_all, nxt * _CHUNK, idx_b[nb])

                @pl.when(nxt >= 2)
                def _():
                    wait_store(nb)

                pltpu.async_copy(table_spm.at[idx_b[nb]], rows_v.at[nb],
                                 gsem[nb])

            wait_gather(b)
            start_store(ci, b)
        return carry

    lax.fori_loop(0, _N_CHUNKS // 2, outer_body, 0)
    wait_store(0)
    wait_store(1)


def kernel(time_diff, time_embeddings):
    mesh = plsc.VectorSubcoreMesh(core_axis_name="c", subcore_axis_name="s")
    k = functools.partial(
        pl.kernel,
        mesh=mesh,
        out_type=jax.ShapeDtypeStruct((_N, _EMBED_DIM), jnp.float32),
        scratch_types=[
            pltpu.VMEM((_B_PER_W,), jnp.float32),
            pltpu.VMEM((_CHUNK,), jnp.int32),
            pltpu.VMEM((_CHUNK,), jnp.int32),
            pltpu.VMEM((2, _CHUNK, _EMBED_DIM), jnp.float32),
            pltpu.VMEM_SHARED((_NUM_TIME_BINS, _EMBED_DIM), jnp.float32),
            pltpu.SemaphoreType.DMA,
            pltpu.SemaphoreType.DMA,
            pltpu.SemaphoreType.DMA,
            pltpu.SemaphoreType.DMA,
        ],
    )(_sc_body)
    return k(time_diff, time_embeddings)

# --- scband reference (transcript-rebuilt; emitter-appended) ---
"""Pipeline reference for scband-temporal-positional-encoding-50792283242933 (READ-ONLY COPY).

The authoritative reference and input builder live on the scoring server;
editing this copy changes nothing except your own understanding.
"""

import jax, jax.numpy as jnp
import numpy as np

EMBED_DIM = 128
MAX_TIME_DIFF = 10.0
NUM_TIME_BINS = 1024
N = 1048576


def setup_inputs(seed: int = 0) -> dict:
    key = jax.random.key(seed)
    k1, k2 = jax.random.split(key)
    # uniform in [0, 1.2*max_time_diff) so clamping path is exercised
    time_diff = jax.random.uniform(k1, (N,), dtype=jnp.float32) * (1.2 * MAX_TIME_DIFF)
    # learned=True -> nn.Parameter initialized N(0, 0.02)
    time_embeddings = jax.random.normal(k2, (NUM_TIME_BINS, EMBED_DIM), dtype=jnp.float32) * 0.02
    return {"time_diff": time_diff, "time_embeddings": time_embeddings}


def reference(time_diff, time_embeddings):
    # buffer: time_bin_values = linspace(0, max_time_diff, num_time_bins)
    time_bin_values = jnp.linspace(0.0, MAX_TIME_DIFF, NUM_TIME_BINS, dtype=jnp.float32)
    # (input is 1-D, so no squeeze needed)
    td = jnp.clip(time_diff, 0.0, MAX_TIME_DIFF)
    # torch.bucketize(x, boundaries) (right=False) == searchsorted side='left'
    bin_indices = jnp.searchsorted(time_bin_values, td, side='left')
    bin_indices = jnp.clip(bin_indices, 0, NUM_TIME_BINS - 1)
    return time_embeddings[bin_indices]

if __name__ == "__main__":
    import jax
    _d = setup_inputs()
    print(jax.jit(kernel)(*tuple(_d.values())))

</pallas_src>

<mosaic_0001>
#map = affine_map<(d0, d1) -> (0)>
#map1 = affine_map<(d0, d1) -> (0, 0)>
module attributes {stable_mosaic.version = 14 : i64} {
  func.func @_sc_body(%arg0: i32, %arg1: i32, %arg2: memref<1048576xf32, #tpu.memory_space<hbm>>, %arg3: memref<1024x128xf32, #tpu.memory_space<hbm>>, %arg4: memref<1048576x128xf32, #tpu.memory_space<hbm>>, %arg5: memref<32768xf32, #tpu.memory_space<vmem>>, %arg6: memref<256xi32, #tpu.memory_space<vmem>>, %arg7: memref<256xi32, #tpu.memory_space<vmem>>, %arg8: memref<2x256x128xf32, #tpu.memory_space<vmem>>, %arg9: memref<1024x128xf32, #tpu.memory_space<vmem_shared>>, %arg10: memref<!tpu.dma_semaphore, #tpu.memory_space<semaphore_mem>>, %arg11: memref<!tpu.dma_semaphore, #tpu.memory_space<semaphore_mem>>, %arg12: memref<!tpu.dma_semaphore, #tpu.memory_space<semaphore_mem>>, %arg13: memref<!tpu.dma_semaphore, #tpu.memory_space<semaphore_mem>>) attributes {dimension_semantics = [#tpu.dimension_semantics<core_parallel>, #tpu.dimension_semantics<subcore_parallel>], iteration_bounds = array<i64: 2, 16>, scalar_prefetch = 0 : i64, scratch_operands = 9 : i64, tpu.core_type = #tpu.core_type<sc_vector_subcore>, window_params = [{transform_indices = #map}, {transform_indices = #map1}, {transform_indices = #map1}]} {
    %mul3A = arith.constant 2 : i32
    %mul3A_0 = arith.muli %arg1, %mul3A : i32
    %add3A = arith.addi %mul3A_0, %arg0 : i32
    %mul3A_1 = arith.constant 32768 : i32
    %mul3A_2 = arith.muli %add3A, %mul3A_1 : i32
    %eq3A = arith.constant 0 : i32
    %eq3A_3 = arith.cmpi eq, %arg1, %eq3A : i32
    %convert_element_type3A = arith.extui %eq3A_3 : i1 to i32
    %cond3A = arith.constant 0 : i32
    %cond3A_4 = arith.cmpi ne, %convert_element_type3A, %cond3A : i32
    scf.if %cond3A_4 {
      "tpu.region"() ({
        %run_scoped3A = tpu.sem_alloc : memref<!tpu.dma_semaphore, #tpu.memory_space<semaphore_mem>>
        tpu.enqueue_dma source(%arg3 : memref<1024x128xf32, #tpu.memory_space<hbm>>) target(%arg9 : memref<1024x128xf32, #tpu.memory_space<vmem_shared>>) target_semaphore(%run_scoped3A : memref<!tpu.dma_semaphore, #tpu.memory_space<semaphore_mem>>)
        tpu.wait_dma2 semaphore(%run_scoped3A : memref<!tpu.dma_semaphore, #tpu.memory_space<semaphore_mem>>) src(%arg3 : memref<1024x128xf32, #tpu.memory_space<hbm>>) dst(%arg9 : memref<1024x128xf32, #tpu.memory_space<vmem_shared>>)
        tpu.yield
      }) : () -> ()
    } else {
    }
    "tpu.region"() ({
      %run_scoped3A = tpu.sem_alloc : memref<!tpu.dma_semaphore, #tpu.memory_space<semaphore_mem>>
      %dma_start3A_48 = tpu.memref_slice %arg2[%mul3A_2] : memref<1048576xf32, #tpu.memory_space<hbm>> -> memref<32768xf32, #tpu.memory_space<hbm>>
      %dma_start3A_49 = tpu.memref_slice %arg2[%mul3A_2] : memref<1048576xf32, #tpu.memory_space<hbm>> -> memref<32768xf32, #tpu.memory_space<hbm>>
      tpu.enqueue_dma source(%dma_start3A_49 : memref<32768xf32, #tpu.memory_space<hbm>>) target(%arg5 : memref<32768xf32, #tpu.memory_space<vmem>>) target_semaphore(%run_scoped3A : memref<!tpu.dma_semaphore, #tpu.memory_space<semaphore_mem>>)
      %dma_wait3A_50 = tpu.memref_slice %arg2[%mul3A_2] : memref<1048576xf32, #tpu.memory_space<hbm>> -> memref<32768xf32, #tpu.memory_space<hbm>>
      %dma_wait3A_51 = tpu.memref_slice %arg2[%mul3A_2] : memref<1048576xf32, #tpu.memory_space<hbm>> -> memref<32768xf32, #tpu.memory_space<hbm>>
      tpu.wait_dma2 semaphore(%run_scoped3A : memref<!tpu.dma_semaphore, #tpu.memory_space<semaphore_mem>>) src(%dma_wait3A_51 : memref<32768xf32, #tpu.memory_space<hbm>>) dst(%arg5 : memref<32768xf32, #tpu.memory_space<vmem>>)
      tpu.yield
    }) : () -> ()
    %barrier3A = arith.constant 0 : index
    tpu.barrier barrier_id(%barrier3A)
    %scan3A = arith.constant 0 : i32
    %scan3A_5 = arith.constant 0 : i32
    %scan3A_6 = arith.constant 16 : i32
    %scan3A_7 = arith.addi %scan3A_5, %scan3A_6 : i32
    %scan3A_8 = arith.constant 1 : i32
    scf.for %scan3A_48 = %scan3A_5 to %scan3A_7 step %scan3A_8  : i32 {
      %mul3A_49 = arith.constant 16 : i32
      %mul3A_50 = arith.muli %scan3A_48, %mul3A_49 : i32
      %add3A_51 = arith.constant 0 : i32
      %add3A_52 = arith.addi %add3A_51, %mul3A_50 : i32
      %get3A = arith.index_cast %add3A_52 : i32 to index
      %get3A_53 = tpu.vector_load %arg5[%get3A] {strides = array<i32>} : memref<32768xf32, #tpu.memory_space<vmem>>, vector<16xf32>,
      %get3A_54 = vector.shape_cast %get3A_53 : vector<16xf32> to vector<16xf32>
      %max3A = arith.constant 0.000000e+00 : f32
      %max3A_55 = vector.broadcast %max3A : f32 to vector<16xf32>
      %max3A_56 = arith.maximumf %get3A_54, %max3A_55 : vector<16xf32>
      %min3A = arith.constant 1.000000e+01 : f32
      %min3A_57 = vector.broadcast %min3A : f32 to vector<16xf32>
      %min3A_58 = arith.minimumf %max3A_56, %min3A_57 : vector<16xf32>
      %mul3A_59 = arith.constant 1.023000e+02 : f32
      %mul3A_60 = vector.broadcast %mul3A_59 : f32 to vector<16xf32>
      %mul3A_61 = arith.mulf %min3A_58, %mul3A_60 : vector<16xf32>
      %convert_element_type3A_62 = arith.fptosi %mul3A_61 : vector<16xf32> to vector<16xi32>
      %convert_element_type3A_63 = arith.sitofp %convert_element_type3A_62 : vector<16xi32> to vector<16xf32>
      %lt3A = arith.cmpf olt, %convert_element_type3A_63, %mul3A_61 : vector<16xf32>
      %add3A_64 = arith.constant 1 : i32
      %add3A_65 = vector.broadcast %add3A_64 : i32 to vector<16xi32>
      %add3A_66 = arith.addi %convert_element_type3A_62, %add3A_65 : vector<16xi32>
      %select_n3A = arith.select %lt3A, %add3A_66, %convert_element_type3A_62 : vector<16xi1>, vector<16xi32>
      %jit3A = arith.constant 0 : i32
      %jit3A_67 = arith.constant 1023 : i32
      %max3A_68 = vector.broadcast %jit3A : i32 to vector<16xi32>
      %max3A_69 = arith.maxsi %max3A_68, %select_n3A : vector<16xi32>
      %min3A_70 = vector.broadcast %jit3A_67 : i32 to vector<16xi32>
      %min3A_71 = arith.minsi %min3A_70, %max3A_69 : vector<16xi32>
      %convert_element_type3A_72 = arith.sitofp %min3A_71 : vector<16xi32> to vector<16xf32>
      %mul3A_73 = arith.constant 0.00977517105 : f32
      %mul3A_74 = vector.broadcast %mul3A_73 : f32 to vector<16xf32>
      %mul3A_75 = arith.mulf %convert_element_type3A_72, %mul3A_74 : vector<16xf32>
      %lt3A_76 = arith.cmpf olt, %mul3A_75, %min3A_58 : vector<16xf32>
      %add3A_77 = arith.constant 1 : i32
      %add3A_78 = vector.broadcast %add3A_77 : i32 to vector<16xi32>
      %add3A_79 = arith.addi %min3A_71, %add3A_78 : vector<16xi32>
      %min3A_80 = arith.constant 1023 : i32
      %min3A_81 = vector.broadcast %min3A_80 : i32 to vector<16xi32>
      %min3A_82 = arith.minsi %add3A_79, %min3A_81 : vector<16xi32>
      %select_n3A_83 = arith.select %lt3A_76, %min3A_82, %min3A_71 : vector<16xi1>, vector<16xi32>
      %convert_element_type3A_84 = arith.sitofp %select_n3A_83 : vector<16xi32> to vector<16xf32>
      %sub3A = arith.constant 1.000000e+00 : f32
      %sub3A_85 = vector.broadcast %sub3A : f32 to vector<16xf32>
      %sub3A_86 = arith.subf %convert_element_type3A_84, %sub3A_85 : vector<16xf32>
      %mul3A_87 = arith.constant 0.00977517105 : f32
      %mul3A_88 = vector.broadcast %mul3A_87 : f32 to vector<16xf32>
      %mul3A_89 = arith.mulf %sub3A_86, %mul3A_88 : vector<16xf32>
      %ge3A = arith.constant 1 : i32
      %ge3A_90 = vector.broadcast %ge3A : i32 to vector<16xi32>
      %ge3A_91 = arith.cmpi sge, %select_n3A_83, %ge3A_90 : vector<16xi32>
      %ge3A_92 = arith.cmpf oge, %mul3A_89, %min3A_58 : vector<16xf32>
      %and3A = arith.andi %ge3A_91, %ge3A_92 : vector<16xi1>
      %sub3A_93 = arith.constant 1 : i32
      %sub3A_94 = vector.broadcast %sub3A_93 : i32 to vector<16xi32>
      %sub3A_95 = arith.subi %select_n3A_83, %sub3A_94 : vector<16xi32>
      %select_n3A_96 = arith.select %and3A, %sub3A_95, %select_n3A_83 : vector<16xi1>, vector<16xi32>
      %swap3A = arith.index_cast %mul3A_50 : i32 to index
      %swap3A_97 = tpu.vector_load %arg6[%swap3A] {strides = array<i32>} : memref<256xi32, #tpu.memory_space<vmem>>, vector<16xi32>,
      %swap3A_98 = vector.shape_cast %swap3A_97 : vector<16xi32> to vector<16xi32>
      %swap3A_99 = vector.shape_cast %select_n3A_96 : vector<16xi32> to vector<16xi32>
      tpu.vector_store %arg6[%swap3A], %swap3A_99 {strides = array<i32>} : memref<256xi32, #tpu.memory_space<vmem>>, vector<16xi32>,
    }
    %scan3A_9 = arith.constant 16 : i32
    %dma_start3A = arith.constant 0 : i32
    %dma_start3A_10 = arith.constant 0 : i32
    %dma_start3A_11 = arith.constant 0 : i32
    %dma_start3A_12 = tpu.memref_slice %arg8[%dma_start3A, %dma_start3A_10, %dma_start3A_11] : memref<2x256x128xf32, #tpu.memory_space<vmem>> -> memref<1x256x128xf32, #tpu.memory_space<vmem>>
    %dma_start3A_13 = tpu.memref_squeeze %dma_start3A_12 : memref<1x256x128xf32, #tpu.memory_space<vmem>> -> memref<256x128xf32, #tpu.memory_space<vmem>>
    %dma_start3A_14 = arith.constant 0 : i32
    %dma_start3A_15 = arith.constant 0 : i32
    %dma_start3A_16 = tpu.memref_slice %arg9[%dma_start3A_14, %dma_start3A_15] : memref<1024x128xf32, #tpu.memory_space<vmem_shared>> -> memref<1024x128xf32, #tpu.memory_space<vmem_shared>>
    tpu.enqueue_indirect_dma source(%dma_start3A_16 : memref<1024x128xf32, #tpu.memory_space<vmem_shared>>) target(%dma_start3A_13 : memref<256x128xf32, #tpu.memory_space<vmem>>) offsets(%arg6 : memref<256xi32, #tpu.memory_space<vmem>>) semaphore(%arg10 : memref<!tpu.dma_semaphore, #tpu.memory_space<semaphore_mem>>)
    %scan3A_17 = arith.constant 0 : i32
    %scan3A_18 = arith.constant 0 : i32
    %scan3A_19 = arith.constant 64 : i32
    %scan3A_20 = arith.addi %scan3A_18, %scan3A_19 : i32
    %scan3A_21 = arith.constant 1 : i32
    scf.for %scan3A_48 = %scan3A_18 to %scan3A_20 step %scan3A_21  : i32 {
      %mul3A_49 = arith.constant 2 : i32
      %mul3A_50 = arith.muli %scan3A_48, %mul3A_49 : i32
      %add3A_51 = arith.constant 0 : i32
      %add3A_52 = arith.addi %mul3A_50, %add3A_51 : i32
      %add3A_53 = arith.constant 1 : i32
      %add3A_54 = arith.addi %add3A_52, %add3A_53 : i32
      %lt3A = arith.constant 128 : i32
      %lt3A_55 = arith.cmpi slt, %add3A_54, %lt3A : i32
      %convert_element_type3A_56 = arith.extui %lt3A_55 : i1 to i32
      %cond3A_57 = arith.constant 0 : i32
      %cond3A_58 = arith.cmpi ne, %convert_element_type3A_56, %cond3A_57 : i32
      scf.if %cond3A_58 {
        %mul3A_118 = arith.constant 256 : i32
        %mul3A_119 = arith.muli %add3A_54, %mul3A_118 : i32
        %scan3A_120 = arith.constant 0 : i32
        %scan3A_121 = arith.constant 0 : i32
        %scan3A_122 = arith.constant 16 : i32
        %scan3A_123 = arith.addi %scan3A_121, %scan3A_122 : i32
        %scan3A_124 = arith.constant 1 : i32
        scf.for %scan3A_138 = %scan3A_121 to %scan3A_123 step %scan3A_124  : i32 {
          %mul3A_139 = arith.constant 16 : i32
          %mul3A_140 = arith.muli %scan3A_138, %mul3A_139 : i32
          %add3A_141 = arith.addi %mul3A_119, %mul3A_140 : i32
          %get3A = arith.index_cast %add3A_141 : i32 to index
          %get3A_142 = tpu.vector_load %arg5[%get3A] {strides = array<i32>} : memref<32768xf32, #tpu.memory_space<vmem>>, vector<16xf32>,
          %get3A_143 = vector.shape_cast %get3A_142 : vector<16xf32> to vector<16xf32>
          %max3A = arith.constant 0.000000e+00 : f32
          %max3A_144 = vector.broadcast %max3A : f32 to vector<16xf32>
          %max3A_145 = arith.maximumf %get3A_143, %max3A_144 : vector<16xf32>
          %min3A = arith.constant 1.000000e+01 : f32
          %min3A_146 = vector.broadcast %min3A : f32 to vector<16xf32>
          %min3A_147 = arith.minimumf %max3A_145, %min3A_146 : vector<16xf32>
          %mul3A_148 = arith.constant 1.023000e+02 : f32
          %mul3A_149 = vector.broadcast %mul3A_148 : f32 to vector<16xf32>
          %mul3A_150 = arith.mulf %min3A_147, %mul3A_149 : vector<16xf32>
          %convert_element_type3A_151 = arith.fptosi %mul3A_150 : vector<16xf32> to vector<16xi32>
          %convert_element_type3A_152 = arith.sitofp %convert_element_type3A_151 : vector<16xi32> to vector<16xf32>
          %lt3A_153 = arith.cmpf olt, %convert_element_type3A_152, %mul3A_150 : vector<16xf32>
          %add3A_154 = arith.constant 1 : i32
          %add3A_155 = vector.broadcast %add3A_154 : i32 to vector<16xi32>
          %add3A_156 = arith.addi %convert_element_type3A_151, %add3A_155 : vector<16xi32>
          %select_n3A = arith.select %lt3A_153, %add3A_156, %convert_element_type3A_151 : vector<16xi1>, vector<16xi32>
          %jit3A = arith.constant 0 : i32
          %jit3A_157 = arith.constant 1023 : i32
          %max3A_158 = vector.broadcast %jit3A : i32 to vector<16xi32>
          %max3A_159 = arith.maxsi %max3A_158, %select_n3A : vector<16xi32>
          %min3A_160 = vector.broadcast %jit3A_157 : i32 to vector<16xi32>
          %min3A_161 = arith.minsi %min3A_160, %max3A_159 : vector<16xi32>
          %convert_element_type3A_162 = arith.sitofp %min3A_161 : vector<16xi32> to vector<16xf32>
          %mul3A_163 = arith.constant 0.00977517105 : f32
          %mul3A_164 = vector.broadcast %mul3A_163 : f32 to vector<16xf32>
          %mul3A_165 = arith.mulf %convert_element_type3A_162, %mul3A_164 : vector<16xf32>
          %lt3A_166 = arith.cmpf olt, %mul3A_165, %min3A_147 : vector<16xf32>
          %add3A_167 = arith.constant 1 : i32
          %add3A_168 = vector.broadcast %add3A_167 : i32 to vector<16xi32>
          %add3A_169 = arith.addi %min3A_161, %add3A_168 : vector<16xi32>
          %min3A_170 = arith.constant 1023 : i32
          %min3A_171 = vector.broadcast %min3A_170 : i32 to vector<16xi32>
          %min3A_172 = arith.minsi %add3A_169, %min3A_171 : vector<16xi32>
          %select_n3A_173 = arith.select %lt3A_166, %min3A_172, %min3A_161 : vector<16xi1>, vector<16xi32>
          %convert_element_type3A_174 = arith.sitofp %select_n3A_173 : vector<16xi32> to vector<16xf32>
          %sub3A = arith.constant 1.000000e+00 : f32
          %sub3A_175 = vector.broadcast %sub3A : f32 to vector<16xf32>
          %sub3A_176 = arith.subf %convert_element_type3A_174, %sub3A_175 : vector<16xf32>
          %mul3A_177 = arith.constant 0.00977517105 : f32
          %mul3A_178 = vector.broadcast %mul3A_177 : f32 to vector<16xf32>
          %mul3A_179 = arith.mulf %sub3A_176, %mul3A_178 : vector<16xf32>
          %ge3A_180 = arith.constant 1 : i32
          %ge3A_181 = vector.broadcast %ge3A_180 : i32 to vector<16xi32>
          %ge3A_182 = arith.cmpi sge, %select_n3A_173, %ge3A_181 : vector<16xi32>
          %ge3A_183 = arith.cmpf oge, %mul3A_179, %min3A_147 : vector<16xf32>
          %and3A = arith.andi %ge3A_182, %ge3A_183 : vector<16xi1>
          %sub3A_184 = arith.constant 1 : i32
          %sub3A_185 = vector.broadcast %sub3A_184 : i32 to vector<16xi32>
          %sub3A_186 = arith.subi %select_n3A_173, %sub3A_185 : vector<16xi32>
          %select_n3A_187 = arith.select %and3A, %sub3A_186, %select_n3A_173 : vector<16xi1>, vector<16xi32>
          %swap3A = arith.index_cast %mul3A_140 : i32 to index
          %swap3A_188 = tpu.vector_load %arg7[%swap3A] {strides = array<i32>} : memref<256xi32, #tpu.memory_space<vmem>>, vector<16xi32>,
          %swap3A_189 = vector.shape_cast %swap3A_188 : vector<16xi32> to vector<16xi32>
          %swap3A_190 = vector.shape_cast %select_n3A_187 : vector<16xi32> to vector<16xi32>
          tpu.vector_store %arg7[%swap3A], %swap3A_190 {strides = array<i32>} : memref<256xi32, #tpu.memory_space<vmem>>, vector<16xi32>,
        }
        %scan3A_125 = arith.constant 16 : i32
        %ge3A = arith.constant 2 : i32
        %ge3A_126 = arith.cmpi sge, %add3A_54, %ge3A : i32
        %convert_element_type3A_127 = arith.extui %ge3A_126 : i1 to i32
        %cond3A_128 = arith.constant 0 : i32
        %cond3A_129 = arith.cmpi ne, %convert_element_type3A_127, %cond3A_128 : i32
        scf.if %cond3A_129 {
          %dma_wait3A_138 = arith.constant 1 : i32
          %dma_wait3A_139 = arith.constant 0 : i32
          %dma_wait3A_140 = arith.constant 0 : i32
          %dma_wait3A_141 = tpu.memref_slice %arg8[%dma_wait3A_138, %dma_wait3A_139, %dma_wait3A_140] : memref<2x256x128xf32, #tpu.memory_space<vmem>> -> memref<1x256x128xf32, #tpu.memory_space<vmem>>
          %dma_wait3A_142 = tpu.memref_squeeze %dma_wait3A_141 : memref<1x256x128xf32, #tpu.memory_space<vmem>> -> memref<256x128xf32, #tpu.memory_space<vmem>>
          %dma_wait3A_143 = arith.constant 0 : i32
          %dma_wait3A_144 = tpu.memref_slice %arg4[%mul3A_2, %dma_wait3A_143] : memref<1048576x128xf32, #tpu.memory_space<hbm>> -> memref<256x128xf32, #tpu.memory_space<hbm>>
          %dma_wait3A_145 = arith.constant 0 : i32
          %dma_wait3A_146 = tpu.memref_slice %arg4[%mul3A_2, %dma_wait3A_145] : memref<1048576x128xf32, #tpu.memory_space<hbm>> -> memref<256x128xf32, #tpu.memory_space<hbm>>
          %dma_wait3A_147 = arith.constant 0 : i32
          %dma_wait3A_148 = arith.constant 0 : i32
          %dma_wait3A_149 = tpu.memref_slice %arg8[%dma_wait3A_138, %dma_wait3A_147, %dma_wait3A_148] : memref<2x256x128xf32, #tpu.memory_space<vmem>> -> memref<1x256x128xf32, #tpu.memory_space<vmem>>
          %dma_wait3A_150 = tpu.memref_squeeze %dma_wait3A_149 : memref<1x256x128xf32, #tpu.memory_space<vmem>> -> memref<256x128xf32, #tpu.memory_space<vmem>>
          tpu.wait_dma2 semaphore(%arg13 : memref<!tpu.dma_semaphore, #tpu.memory_space<semaphore_mem>>) src(%dma_wait3A_150 : memref<256x128xf32, #tpu.memory_space<vmem>>) dst(%dma_wait3A_146 : memref<256x128xf32, #tpu.memory_space<hbm>>)
        } else {
        }
        %dma_start3A_130 = arith.constant 1 : i32
        %dma_start3A_131 = arith.constant 0 : i32
        %dma_start3A_132 = arith.constant 0 : i32
        %dma_start3A_133 = tpu.memref_slice %arg8[%dma_start3A_130, %dma_start3A_131, %dma_start3A_132] : memref<2x256x128xf32, #tpu.memory_space<vmem>> -> memref<1x256x128xf32, #tpu.memory_space<vmem>>
        %dma_start3A_134 = tpu.memref_squeeze %dma_start3A_133 : memref<1x256x128xf32, #tpu.memory_space<vmem>> -> memref<256x128xf32, #tpu.memory_space<vmem>>
        %dma_start3A_135 = arith.constant 0 : i32
        %dma_start3A_136 = arith.constant 0 : i32
        %dma_start3A_137 = tpu.memref_slice %arg9[%dma_start3A_135, %dma_start3A_136] : memref<1024x128xf32, #tpu.memory_space<vmem_shared>> -> memref<1024x128xf32, #tpu.memory_space<vmem_shared>>
        tpu.enqueue_indirect_dma source(%dma_start3A_137 : memref<1024x128xf32, #tpu.memory_space<vmem_shared>>) target(%dma_start3A_134 : memref<256x128xf32, #tpu.memory_space<vmem>>) offsets(%arg7 : memref<256xi32, #tpu.memory_space<vmem>>) semaphore(%arg11 : memref<!tpu.dma_semaphore, #tpu.memory_space<semaphore_mem>>)
      } else {
      }
      %dma_wait3A_59 = arith.constant 0 : i32
      %dma_wait3A_60 = arith.constant 0 : i32
      %dma_wait3A_61 = arith.constant 0 : i32
      %dma_wait3A_62 = tpu.memref_slice %arg8[%dma_wait3A_59, %dma_wait3A_60, %dma_wait3A_61] : memref<2x256x128xf32, #tpu.memory_space<vmem>> -> memref<1x256x128xf32, #tpu.memory_space<vmem>>
      %dma_wait3A_63 = tpu.memref_squeeze %dma_wait3A_62 : memref<1x256x128xf32, #tpu.memory_space<vmem>> -> memref<256x128xf32, #tpu.memory_space<vmem>>
      %dma_wait3A_64 = arith.constant 0 : i32
      %dma_wait3A_65 = arith.constant 0 : i32
      %dma_wait3A_66 = tpu.memref_slice %arg9[%dma_wait3A_64, %dma_wait3A_65] : memref<1024x128xf32, #tpu.memory_space<vmem_shared>> -> memref<1024x128xf32, #tpu.memory_space<vmem_shared>>
      tpu.wait_indirect_dma semaphore(%arg10 : memref<!tpu.dma_semaphore, #tpu.memory_space<semaphore_mem>>) src(%dma_wait3A_66 : memref<1024x128xf32, #tpu.memory_space<vmem_shared>>) dst(%dma_wait3A_63 : memref<256x128xf32, #tpu.memory_space<vmem>>)
      %mul3A_67 = arith.constant 256 : i32
      %mul3A_68 = arith.muli %add3A_52, %mul3A_67 : i32
      %add3A_69 = arith.addi %mul3A_2, %mul3A_68 : i32
      %dma_start3A_70 = arith.constant 0 : i32
      %dma_start3A_71 = arith.constant 0 : i32
      %dma_start3A_72 = arith.constant 0 : i32
      %dma_start3A_73 = tpu.memref_slice %arg8[%dma_start3A_70, %dma_start3A_71, %dma_start3A_72] : memref<2x256x128xf32, #tpu.memory_space<vmem>> -> memref<1x256x128xf32, #tpu.memory_space<vmem>>
      %dma_start3A_74 = tpu.memref_squeeze %dma_start3A_73 : memref<1x256x128xf32, #tpu.memory_space<vmem>> -> memref<256x128xf32, #tpu.memory_space<vmem>>
      %dma_start3A_75 = arith.constant 0 : i32
      %dma_start3A_76 = tpu.memref_slice %arg4[%add3A_69, %dma_start3A_75] : memref<1048576x128xf32, #tpu.memory_space<hbm>> -> memref<256x128xf32, #tpu.memory_space<hbm>>
      %dma_start3A_77 = arith.constant 0 : i32
      %dma_start3A_78 = tpu.memref_slice %arg4[%add3A_69, %dma_start3A_77] : memref<1048576x128xf32, #tpu.memory_space<hbm>> -> memref<256x128xf32, #tpu.memory_space<hbm>>
      %dma_start3A_79 = arith.constant 0 : i32
      %dma_start3A_80 = arith.constant 0 : i32
      %dma_start3A_81 = tpu.memref_slice %arg8[%dma_start3A_70, %dma_start3A_79, %dma_start3A_80] : memref<2x256x128xf32, #tpu.memory_space<vmem>> -> memref<1x256x128xf32, #tpu.memory_space<vmem>>
      %dma_start3A_82 = tpu.memref_squeeze %dma_start3A_81 : memref<1x256x128xf32, #tpu.memory_space<vmem>> -> memref<256x128xf32, #tpu.memory_space<vmem>>
      tpu.enqueue_dma source(%dma_start3A_82 : memref<256x128xf32, #tpu.memory_space<vmem>>) target(%dma_start3A_78 : memref<256x128xf32, #tpu.memory_space<hbm>>) target_semaphore(%arg12 : memref<!tpu.dma_semaphore, #tpu.memory_space<semaphore_mem>>)
      %mul3A_83 = arith.constant 2 : i32
      %mul3A_84 = arith.muli %scan3A_48, %mul3A_83 : i32
      %add3A_85 = arith.constant 1 : i32
      %add3A_86 = arith.addi %mul3A_84, %add3A_85 : i32
      %add3A_87 = arith.constant 1 : i32
      %add3A_88 = arith.addi %add3A_86, %add3A_87 : i32
      %lt3A_89 = arith.constant 128 : i32
      %lt3A_90 = arith.cmpi slt, %add3A_88, %lt3A_89 : i32
      %convert_element_type3A_91 = arith.extui %lt3A_90 : i1 to i32
      %cond3A_92 = arith.constant 0 : i32
      %cond3A_93 = arith.cmpi ne, %convert_element_type3A_91, %cond3A_92 : i32
      scf.if %cond3A_93 {
        %mul3A_118 = arith.constant 256 : i32
        %mul3A_119 = arith.muli %add3A_88, %mul3A_118 : i32
        %scan3A_120 = arith.constant 0 : i32
        %scan3A_121 = arith.constant 0 : i32
        %scan3A_122 = arith.constant 16 : i32
        %scan3A_123 = arith.addi %scan3A_121, %scan3A_122 : i32
        %scan3A_124 = arith.constant 1 : i32
        scf.for %scan3A_138 = %scan3A_121 to %scan3A_123 step %scan3A_124  : i32 {
          %mul3A_139 = arith.constant 16 : i32
          %mul3A_140 = arith.muli %scan3A_138, %mul3A_139 : i32
          %add3A_141 = arith.addi %mul3A_119, %mul3A_140 : i32
          %get3A = arith.index_cast %add3A_141 : i32 to index
          %get3A_142 = tpu.vector_load %arg5[%get3A] {strides = array<i32>} : memref<32768xf32, #tpu.memory_space<vmem>>, vector<16xf32>,
          %get3A_143 = vector.shape_cast %get3A_142 : vector<16xf32> to vector<16xf32>
          %max3A = arith.constant 0.000000e+00 : f32
          %max3A_144 = vector.broadcast %max3A : f32 to vector<16xf32>
          %max3A_145 = arith.maximumf %get3A_143, %max3A_144 : vector<16xf32>
          %min3A = arith.constant 1.000000e+01 : f32
          %min3A_146 = vector.broadcast %min3A : f32 to vector<16xf32>
          %min3A_147 = arith.minimumf %max3A_145, %min3A_146 : vector<16xf32>
          %mul3A_148 = arith.constant 1.023000e+02 : f32
          %mul3A_149 = vector.broadcast %mul3A_148 : f32 to vector<16xf32>
          %mul3A_150 = arith.mulf %min3A_147, %mul3A_149 : vector<16xf32>
          %convert_element_type3A_151 = arith.fptosi %mul3A_150 : vector<16xf32> to vector<16xi32>
          %convert_element_type3A_152 = arith.sitofp %convert_element_type3A_151 : vector<16xi32> to vector<16xf32>
          %lt3A_153 = arith.cmpf olt, %convert_element_type3A_152, %mul3A_150 : vector<16xf32>
          %add3A_154 = arith.constant 1 : i32
          %add3A_155 = vector.broadcast %add3A_154 : i32 to vector<16xi32>
          %add3A_156 = arith.addi %convert_element_type3A_151, %add3A_155 : vector<16xi32>
          %select_n3A = arith.select %lt3A_153, %add3A_156, %convert_element_type3A_151 : vector<16xi1>, vector<16xi32>
          %jit3A = arith.constant 0 : i32
          %jit3A_157 = arith.constant 1023 : i32
          %max3A_158 = vector.broadcast %jit3A : i32 to vector<16xi32>
          %max3A_159 = arith.maxsi %max3A_158, %select_n3A : vector<16xi32>
          %min3A_160 = vector.broadcast %jit3A_157 : i32 to vector<16xi32>
          %min3A_161 = arith.minsi %min3A_160, %max3A_159 : vector<16xi32>
          %convert_element_type3A_162 = arith.sitofp %min3A_161 : vector<16xi32> to vector<16xf32>
          %mul3A_163 = arith.constant 0.00977517105 : f32
          %mul3A_164 = vector.broadcast %mul3A_163 : f32 to vector<16xf32>
          %mul3A_165 = arith.mulf %convert_element_type3A_162, %mul3A_164 : vector<16xf32>
          %lt3A_166 = arith.cmpf olt, %mul3A_165, %min3A_147 : vector<16xf32>
          %add3A_167 = arith.constant 1 : i32
          %add3A_168 = vector.broadcast %add3A_167 : i32 to vector<16xi32>
          %add3A_169 = arith.addi %min3A_161, %add3A_168 : vector<16xi32>
          %min3A_170 = arith.constant 1023 : i32
          %min3A_171 = vector.broadcast %min3A_170 : i32 to vector<16xi32>
          %min3A_172 = arith.minsi %add3A_169, %min3A_171 : vector<16xi32>
          %select_n3A_173 = arith.select %lt3A_166, %min3A_172, %min3A_161 : vector<16xi1>, vector<16xi32>
          %convert_element_type3A_174 = arith.sitofp %select_n3A_173 : vector<16xi32> to vector<16xf32>
          %sub3A = arith.constant 1.000000e+00 : f32
          %sub3A_175 = vector.broadcast %sub3A : f32 to vector<16xf32>
          %sub3A_176 = arith.subf %convert_element_type3A_174, %sub3A_175 : vector<16xf32>
          %mul3A_177 = arith.constant 0.00977517105 : f32
          %mul3A_178 = vector.broadcast %mul3A_177 : f32 to vector<16xf32>
          %mul3A_179 = arith.mulf %sub3A_176, %mul3A_178 : vector<16xf32>
          %ge3A_180 = arith.constant 1 : i32
          %ge3A_181 = vector.broadcast %ge3A_180 : i32 to vector<16xi32>
          %ge3A_182 = arith.cmpi sge, %select_n3A_173, %ge3A_181 : vector<16xi32>
          %ge3A_183 = arith.cmpf oge, %mul3A_179, %min3A_147 : vector<16xf32>
          %and3A = arith.andi %ge3A_182, %ge3A_183 : vector<16xi1>
          %sub3A_184 = arith.constant 1 : i32
          %sub3A_185 = vector.broadcast %sub3A_184 : i32 to vector<16xi32>
          %sub3A_186 = arith.subi %select_n3A_173, %sub3A_185 : vector<16xi32>
          %select_n3A_187 = arith.select %and3A, %sub3A_186, %select_n3A_173 : vector<16xi1>, vector<16xi32>
          %swap3A = arith.index_cast %mul3A_140 : i32 to index
          %swap3A_188 = tpu.vector_load %arg6[%swap3A] {strides = array<i32>} : memref<256xi32, #tpu.memory_space<vmem>>, vector<16xi32>,
          %swap3A_189 = vector.shape_cast %swap3A_188 : vector<16xi32> to vector<16xi32>
          %swap3A_190 = vector.shape_cast %select_n3A_187 : vector<16xi32> to vector<16xi32>
          tpu.vector_store %arg6[%swap3A], %swap3A_190 {strides = array<i32>} : memref<256xi32, #tpu.memory_space<vmem>>, vector<16xi32>,
        }
        %scan3A_125 = arith.constant 16 : i32
        %ge3A = arith.constant 2 : i32
        %ge3A_126 = arith.cmpi sge, %add3A_88, %ge3A : i32
        %convert_element_type3A_127 = arith.extui %ge3A_126 : i1 to i32
        %cond3A_128 = arith.constant 0 : i32
        %cond3A_129 = arith.cmpi ne, %convert_element_type3A_127, %cond3A_128 : i32
        scf.if %cond3A_129 {
          %dma_wait3A_138 = arith.constant 0 : i32
          %dma_wait3A_139 = arith.constant 0 : i32
          %dma_wait3A_140 = arith.constant 0 : i32
          %dma_wait3A_141 = tpu.memref_slice %arg8[%dma_wait3A_138, %dma_wait3A_139, %dma_wait3A_140] : memref<2x256x128xf32, #tpu.memory_space<vmem>> -> memref<1x256x128xf32, #tpu.memory_space<vmem>>
          %dma_wait3A_142 = tpu.memref_squeeze %dma_wait3A_141 : memref<1x256x128xf32, #tpu.memory_space<vmem>> -> memref<256x128xf32, #tpu.memory_space<vmem>>
          %dma_wait3A_143 = arith.constant 0 : i32
          %dma_wait3A_144 = tpu.memref_slice %arg4[%mul3A_2, %dma_wait3A_143] : memref<1048576x128xf32, #tpu.memory_space<hbm>> -> memref<256x128xf32, #tpu.memory_space<hbm>>
          %dma_wait3A_145 = arith.constant 0 : i32
          %dma_wait3A_146 = tpu.memref_slice %arg4[%mul3A_2, %dma_wait3A_145] : memref<1048576x128xf32, #tpu.memory_space<hbm>> -> memref<256x128xf32, #tpu.memory_space<hbm>>
          %dma_wait3A_147 = arith.constant 0 : i32
          %dma_wait3A_148 = arith.constant 0 : i32
          %dma_wait3A_149 = tpu.memref_slice %arg8[%dma_wait3A_138, %dma_wait3A_147, %dma_wait3A_148] : memref<2x256x128xf32, #tpu.memory_space<vmem>> -> memref<1x256x128xf32, #tpu.memory_space<vmem>>
          %dma_wait3A_150 = tpu.memref_squeeze %dma_wait3A_149 : memref<1x256x128xf32, #tpu.memory_space<vmem>> -> memref<256x128xf32, #tpu.memory_space<vmem>>
          tpu.wait_dma2 semaphore(%arg12 : memref<!tpu.dma_semaphore, #tpu.memory_space<semaphore_mem>>) src(%dma_wait3A_150 : memref<256x128xf32, #tpu.memory_space<vmem>>) dst(%dma_wait3A_146 : memref<256x128xf32, #tpu.memory_space<hbm>>)
        } else {
        }
        %dma_start3A_130 = arith.constant 0 : i32
        %dma_start3A_131 = arith.constant 0 : i32
        %dma_start3A_132 = arith.constant 0 : i32
        %dma_start3A_133 = tpu.memref_slice %arg8[%dma_start3A_130, %dma_start3A_131, %dma_start3A_132] : memref<2x256x128xf32, #tpu.memory_space<vmem>> -> memref<1x256x128xf32, #tpu.memory_space<vmem>>
        %dma_start3A_134 = tpu.memref_squeeze %dma_start3A_133 : memref<1x256x128xf32, #tpu.memory_space<vmem>> -> memref<256x128xf32, #tpu.memory_space<vmem>>
        %dma_start3A_135 = arith.constant 0 : i32
        %dma_start3A_136 = arith.constant 0 : i32
        %dma_start3A_137 = tpu.memref_slice %arg9[%dma_start3A_135, %dma_start3A_136] : memref<1024x128xf32, #tpu.memory_space<vmem_shared>> -> memref<1024x128xf32, #tpu.memory_space<vmem_shared>>
        tpu.enqueue_indirect_dma source(%dma_start3A_137 : memref<1024x128xf32, #tpu.memory_space<vmem_shared>>) target(%dma_start3A_134 : memref<256x128xf32, #tpu.memory_space<vmem>>) offsets(%arg6 : memref<256xi32, #tpu.memory_space<vmem>>) semaphore(%arg10 : memref<!tpu.dma_semaphore, #tpu.memory_space<semaphore_mem>>)
      } else {
      }
      %dma_wait3A_94 = arith.constant 1 : i32
      %dma_wait3A_95 = arith.constant 0 : i32
      %dma_wait3A_96 = arith.constant 0 : i32
      %dma_wait3A_97 = tpu.memref_slice %arg8[%dma_wait3A_94, %dma_wait3A_95, %dma_wait3A_96] : memref<2x256x128xf32, #tpu.memory_space<vmem>> -> memref<1x256x128xf32, #tpu.memory_space<vmem>>
      %dma_wait3A_98 = tpu.memref_squeeze %dma_wait3A_97 : memref<1x256x128xf32, #tpu.memory_space<vmem>> -> memref<256x128xf32, #tpu.memory_space<vmem>>
      %dma_wait3A_99 = arith.constant 0 : i32
      %dma_wait3A_100 = arith.constant 0 : i32
      %dma_wait3A_101 = tpu.memref_slice %arg9[%dma_wait3A_99, %dma_wait3A_100] : memref<1024x128xf32, #tpu.memory_space<vmem_shared>> -> memref<1024x128xf32, #tpu.memory_space<vmem_shared>>
      tpu.wait_indirect_dma semaphore(%arg11 : memref<!tpu.dma_semaphore, #tpu.memory_space<semaphore_mem>>) src(%dma_wait3A_101 : memref<1024x128xf32, #tpu.memory_space<vmem_shared>>) dst(%dma_wait3A_98 : memref<256x128xf32, #tpu.memory_space<vmem>>)
      %mul3A_102 = arith.constant 256 : i32
      %mul3A_103 = arith.muli %add3A_86, %mul3A_102 : i32
      %add3A_104 = arith.addi %mul3A_2, %mul3A_103 : i32
      %dma_start3A_105 = arith.constant 1 : i32
      %dma_start3A_106 = arith.constant 0 : i32
      %dma_start3A_107 = arith.constant 0 : i32
      %dma_start3A_108 = tpu.memref_slice %arg8[%dma_start3A_105, %dma_start3A_106, %dma_start3A_107] : memref<2x256x128xf32, #tpu.memory_space<vmem>> -> memref<1x256x128xf32, #tpu.memory_space<vmem>>
      %dma_start3A_109 = tpu.memref_squeeze %dma_start3A_108 : memref<1x256x128xf32, #tpu.memory_space<vmem>> -> memref<256x128xf32, #tpu.memory_space<vmem>>
      %dma_start3A_110 = arith.constant 0 : i32
      %dma_start3A_111 = tpu.memref_slice %arg4[%add3A_104, %dma_start3A_110] : memref<1048576x128xf32, #tpu.memory_space<hbm>> -> memref<256x128xf32, #tpu.memory_space<hbm>>
      %dma_start3A_112 = arith.constant 0 : i32
      %dma_start3A_113 = tpu.memref_slice %arg4[%add3A_104, %dma_start3A_112] : memref<1048576x128xf32, #tpu.memory_space<hbm>> -> memref<256x128xf32, #tpu.memory_space<hbm>>
      %dma_start3A_114 = arith.constant 0 : i32
      %dma_start3A_115 = arith.constant 0 : i32
      %dma_start3A_116 = tpu.memref_slice %arg8[%dma_start3A_105, %dma_start3A_114, %dma_start3A_115] : memref<2x256x128xf32, #tpu.memory_space<vmem>> -> memref<1x256x128xf32, #tpu.memory_space<vmem>>
      %dma_start3A_117 = tpu.memref_squeeze %dma_start3A_116 : memref<1x256x128xf32, #tpu.memory_space<vmem>> -> memref<256x128xf32, #tpu.memory_space<vmem>>
      tpu.enqueue_dma source(%dma_start3A_117 : memref<256x128xf32, #tpu.memory_space<vmem>>) target(%dma_start3A_113 : memref<256x128xf32, #tpu.memory_space<hbm>>) target_semaphore(%arg13 : memref<!tpu.dma_semaphore, #tpu.memory_space<semaphore_mem>>)
    }
    %scan3A_22 = arith.constant 64 : i32
    %dma_wait3A = arith.constant 0 : i32
    %dma_wait3A_23 = arith.constant 0 : i32
    %dma_wait3A_24 = arith.constant 0 : i32
    %dma_wait3A_25 = tpu.memref_slice %arg8[%dma_wait3A, %dma_wait3A_23, %dma_wait3A_24] : memref<2x256x128xf32, #tpu.memory_space<vmem>> -> memref<1x256x128xf32, #tpu.memory_space<vmem>>
    %dma_wait3A_26 = tpu.memref_squeeze %dma_wait3A_25 : memref<1x256x128xf32, #tpu.memory_space<vmem>> -> memref<256x128xf32, #tpu.memory_space<vmem>>
    %dma_wait3A_27 = arith.constant 0 : i32
    %dma_wait3A_28 = tpu.memref_slice %arg4[%mul3A_2, %dma_wait3A_27] : memref<1048576x128xf32, #tpu.memory_space<hbm>> -> memref<256x128xf32, #tpu.memory_space<hbm>>
    %dma_wait3A_29 = arith.constant 0 : i32
    %dma_wait3A_30 = tpu.memref_slice %arg4[%mul3A_2, %dma_wait3A_29] : memref<1048576x128xf32, #tpu.memory_space<hbm>> -> memref<256x128xf32, #tpu.memory_space<hbm>>
    %dma_wait3A_31 = arith.constant 0 : i32
    %dma_wait3A_32 = arith.constant 0 : i32
    %dma_wait3A_33 = tpu.memref_slice %arg8[%dma_wait3A, %dma_wait3A_31, %dma_wait3A_32] : memref<2x256x128xf32, #tpu.memory_space<vmem>> -> memref<1x256x128xf32, #tpu.memory_space<vmem>>
    %dma_wait3A_34 = tpu.memref_squeeze %dma_wait3A_33 : memref<1x256x128xf32, #tpu.memory_space<vmem>> -> memref<256x128xf32, #tpu.memory_space<vmem>>
    tpu.wait_dma2 semaphore(%arg12 : memref<!tpu.dma_semaphore, #tpu.memory_space<semaphore_mem>>) src(%dma_wait3A_34 : memref<256x128xf32, #tpu.memory_space<vmem>>) dst(%dma_wait3A_30 : memref<256x128xf32, #tpu.memory_space<hbm>>)
    %dma_wait3A_35 = arith.constant 1 : i32
    %dma_wait3A_36 = arith.constant 0 : i32
    %dma_wait3A_37 = arith.constant 0 : i32
    %dma_wait3A_38 = tpu.memref_slice %arg8[%dma_wait3A_35, %dma_wait3A_36, %dma_wait3A_37] : memref<2x256x128xf32, #tpu.memory_space<vmem>> -> memref<1x256x128xf32, #tpu.memory_space<vmem>>
    %dma_wait3A_39 = tpu.memref_squeeze %dma_wait3A_38 : memref<1x256x128xf32, #tpu.memory_space<vmem>> -> memref<256x128xf32, #tpu.memory_space<vmem>>
    %dma_wait3A_40 = arith.constant 0 : i32
    %dma_wait3A_41 = tpu.memref_slice %arg4[%mul3A_2, %dma_wait3A_40] : memref<1048576x128xf32, #tpu.memory_space<hbm>> -> memref<256x128xf32, #tpu.memory_space<hbm>>
    %dma_wait3A_42 = arith.constant 0 : i32
    %dma_wait3A_43 = tpu.memref_slice %arg4[%mul3A_2, %dma_wait3A_42] : memref<1048576x128xf32, #tpu.memory_space<hbm>> -> memref<256x128xf32, #tpu.memory_space<hbm>>
    %dma_wait3A_44 = arith.constant 0 : i32
    %dma_wait3A_45 = arith.constant 0 : i32
    %dma_wait3A_46 = tpu.memref_slice %arg8[%dma_wait3A_35, %dma_wait3A_44, %dma_wait3A_45] : memref<2x256x128xf32, #tpu.memory_space<vmem>> -> memref<1x256x128xf32, #tpu.memory_space<vmem>>
    %dma_wait3A_47 = tpu.memref_squeeze %dma_wait3A_46 : memref<1x256x128xf32, #tpu.memory_space<vmem>> -> memref<256x128xf32, #tpu.memory_space<vmem>>
    tpu.wait_dma2 semaphore(%arg13 : memref<!tpu.dma_semaphore, #tpu.memory_space<semaphore_mem>>) src(%dma_wait3A_47 : memref<256x128xf32, #tpu.memory_space<vmem>>) dst(%dma_wait3A_43 : memref<256x128xf32, #tpu.memory_space<hbm>>)
    return
  }
}

</mosaic_0001>

<sc_bundles>
// kernel: kernel.3.cloned.1.call-start
scs
__scs_entry_jumppad:
0x0: {  	(pc) =	sbr.rel $0x88, $3  }
0x1: {  	(tag) =	ssettag $0x0;
	lr =	simm.s32 $0x1  }
0x2: {  	[smem:$0x3F9F] =	sst lr;
	_ =	strace $0xD0000000  }
0x3: {  	_ = 	snop  }
0x4: {  	_ = 	snop  }
0x5: {  	_ = 	snop  }
0x6: {  	_ = 	snop  }
0x7: {  	_ = 	snop  }
__scs_overlays_trampoline_lowered:
0x8: {  	[smem:$0x3FAE] =	sst s0  }
0x9: {  	[smem:$0x3FAF] =	sst s1  }
0xa: {  	[smem:$0x3FB0] =	sst s2  }
0xb: {  	[smem:$0x3FB1] =	sst s3  }
0xc: {  	[smem:$0x3FB2] =	sst s4  }
0xd: {  	[smem:$0x3FB3] =	sst s5  }
0xe: {  	[smem:$0x3FB4] =	sst s6  }
0xf: {  	[smem:$0x3FB5] =	sst s7  }
0x10: {  	[smem:$0x3FB6] =	sst s8  }
0x11: {  	[smem:$0x3FB7] =	sst s9;
	s0 =	simm.s32 @!p0 $0x0  }
0x12: {  	s1 =	sld [smem:$0x3F9D];
	s0 =	simm.s32 @p0 $0x1  }
0x13: {  	[smem:$0x3FB8] =	sst s0;
	s0 =	simm.s32 @!p1 $0x0  }
0x14: {  	s2 =	sld [smem:$0x3F9C];
	s0 =	simm.s32 @p1 $0x1  }
0x15: {  	[smem:$0x3FB9] =	sst s0;
	s0 =	simm.s32 @!p2 $0x0  }
0x16: {  	s3 =	sld [smem:$0x3FDB];
	s0 =	simm.s32 @p2 $0x1  }
0x17: {  	s4 =	simm.s32 $0x1BF5;
	[smem:$0x3FBB] =	sst s0  }
0x18: {  	s0 =	sld [smem:$0x3F9E];
	_ =	swait.ge [sflag:s4], $0x0  }
0x19: {  	s7 =	sld [smem:$0x3F9F]  }
0x1a: {  	s8 =	sadd.s32 $0xFFFFE003, lr  }
0x1b: {  	s9 =	sadd.s32 $0xFFFFFEF7, lr;
	s5 =	simm.s32 $0xFFFFFFFF;
	p2 =	slt.u32 s8, $0xFFFFF086  }
0x1c: {  	p1 =	slt.u32 s9, $0xF7A;
	s5 =	simm.s32 @!p2 $0x0  }
0x1d: {  	s5 =	simm.s32 @p1 $0x1;
	p0 =	seq.s32 s7, s2  }
0x1e: {  	s7 =	smul.u32 @!p0 $0xF7A, s2;
	p2 =	seq.s32 @!p0 s5, $0x0  }
0x1f: {  	s9 =	smul.u32 $0xF7A, s1;
	s8 =	simm.s32 @!p0 $0x1BF5;
	p2 =	por !p2, p0  }
0x20: {  	[sflag:s8] =	ssyncset.s32 @!p0 $0xFFFFF086;
	s6 =	sadd.s32 @!p0 s3, s7;
	s7 =	simm.s32 @!p0 $0x108  }
0x21: {  	s3 =	sadd.s32 s3, s9;
	s6 =	sadd.s32 @!p0 $0x88, s6;
	s7 =	simm.s32 @p2 $0x1082  }
0x22: {  	[simem:s7], [sflag:s8] =	dma.local @!p0 [hbm:s6], $0xF7A  }
0x23: {  	s9 =	sor.u32 $0xD0000000, s2;
	s6 =	simm.s32 $0x108;
	_ =	swait.ge @!p0 [sflag:s8], $0x0  }
0x24: {  	s3 =	sadd.s32 $0x88, s3;
	s6 =	simm.s32 @!p1 $0x1082;
	[sflag:s4] =	ssyncset.s32 $0xFFFFF086  }
0x25: {  	[simem:s6], [sflag:s4] =	dma.local [hbm:s3], $0xF7A  }
0x26: {  	[smem:$0x3F9F] =	sst s1;
	(tag) =	ssettag s2;
	_ =	strace s9  }
0x27: {  	s1 =	sld [smem:$0x3FAF]  }
0x28: {  	s2 =	sld [smem:$0x3FB0]  }
0x29: {  	s4 =	sld [smem:$0x3FB2]  }
0x2a: {  	p0 =	seq.s32 s5, $0x0;
	s5 =	sld [smem:$0x3FB3]  }
0x2b: {  	s6 =	sld [smem:$0x3FB4]  }
0x2c: {  	s7 =	sld [smem:$0x3FB5]  }
0x2d: {  	s3 =	simm.s32 $0x108;
	s8 =	sld [smem:$0x3FB6]  }
0x2e: {  	s3 =	simm.s32 @!p0 $0x1082;
	s9 =	sld [smem:$0x3FB7]  }
0x2f: {  	lr =	sadd.s32 s0, s3;
	s0 =	sld [smem:$0x3FAE]  }
0x30: {  	s3 =	sld [smem:$0x3FB1]  }
0x31: {  	[smem:$0x3FBA] =	sst s10  }
0x32: {  	s10 =	sld [smem:$0x3FB8];
	_ =	sdelay $0x3  }
0x33: {  	p0 =	seq.s32 s10, $0x1;
	s10 =	sld [smem:$0x3FBA];
	_ =	sdelay $0x3  }
0x34: {  	[smem:$0x3FBA] =	sst s10  }
0x35: {  	s10 =	sld [smem:$0x3FB9];
	_ =	sdelay $0x3  }
0x36: {  	p1 =	seq.s32 s10, $0x1;
	s10 =	sld [smem:$0x3FBA];
	_ =	sdelay $0x3  }
0x37: {  	[smem:$0x3FBA] =	sst s10  }
0x38: {  	s10 =	sld [smem:$0x3FBB]  }
0x39: {  	_ = 	snop;
	(pc) =	sbr.ind lr, $3  }
0x3a: {  	_ = 	snop  }
0x3b: {  	_ = 	snop  }
0x3c: {  	p2 =	seq.s32 s10, $0x1;
	s10 =	sld [smem:$0x3FBA]  }
0x3d: {  	_ =	shalt  }
0x3e: {  	_ =	shalt  }
0x3f: {  	_ =	shalt  }
0x40: {  	_ =	shalt  }
0x41: {  	_ =	shalt  }
0x42: {  	_ =	shalt  }
0x43: {  	_ =	shalt  }
0x44: {  	_ =	shalt  }
0x45: {  	_ =	shalt  }
0x46: {  	_ =	shalt  }
0x47: {  	_ =	shalt  }
0x48: {  	_ =	shalt  }
0x49: {  	_ =	shalt  }
0x4a: {  	_ =	shalt  }
0x4b: {  	_ =	shalt  }
0x4c: {  	_ =	shalt  }
0x4d: {  	_ =	shalt  }
0x4e: {  	_ =	shalt  }
0x4f: {  	_ =	shalt  }
0x50: {  	_ =	shalt  }
0x51: {  	_ =	shalt  }
0x52: {  	_ =	shalt  }
0x53: {  	_ =	shalt  }
0x54: {  	_ =	shalt  }
0x55: {  	_ =	shalt  }
0x56: {  	_ =	shalt  }
0x57: {  	_ =	shalt  }
0x58: {  	_ =	shalt  }
0x59: {  	_ =	shalt  }
0x5a: {  	_ =	shalt  }
0x5b: {  	_ =	shalt  }
0x5c: {  	_ =	shalt  }
0x5d: {  	_ =	shalt  }
0x5e: {  	_ =	shalt  }
0x5f: {  	_ =	shalt  }
0x60: {  	_ =	shalt  }
0x61: {  	_ =	shalt  }
0x62: {  	_ =	shalt  }
0x63: {  	_ =	shalt  }
0x64: {  	_ =	shalt  }
0x65: {  	_ =	shalt  }
0x66: {  	_ =	shalt  }
0x67: {  	_ =	shalt  }
0x68: {  	_ =	shalt  }
0x69: {  	_ =	shalt  }
0x6a: {  	_ =	shalt  }
0x6b: {  	_ =	shalt  }
0x6c: {  	_ =	shalt  }
0x6d: {  	_ =	shalt  }
0x6e: {  	_ =	shalt  }
0x6f: {  	_ =	shalt  }
0x70: {  	_ =	shalt  }
0x71: {  	_ =	shalt  }
0x72: {  	_ =	shalt  }
0x73: {  	_ =	shalt  }
0x74: {  	_ =	shalt  }
0x75: {  	_ =	shalt  }
0x76: {  	_ =	shalt  }
0x77: {  	_ =	shalt  }
0x78: {  	_ =	shalt  }
0x79: {  	_ =	shalt  }
0x7a: {  	_ =	shalt  }
0x7b: {  	_ =	shalt  }
0x7c: {  	_ =	shalt  }
0x7d: {  	_ =	shalt  }
0x7e: {  	_ =	shalt  }
0x7f: {  	_ =	shalt  }
0x80: {  	_ =	shalt  }
0x81: {  	_ =	shalt  }
0x82: {  	_ =	shalt  }
0x83: {  	_ =	shalt  }
0x84: {  	_ =	shalt  }
0x85: {  	_ =	shalt  }
0x86: {  	_ =	shalt  }
0x87: {  	_ =	shalt  }
.Lfunc_end0:
.L_simem_size_0:
called_computation_lowered:
.L_overlay_start_0:
0x88: {  	s2 =	sld [smem:$0x3FD9]  }
0x89: {  	s3 =	sld [smem:$0x3FFE];
	_ =	sdelay $0x1  }
0x8a: {  	s1 =	srdreg.scid  }
0x8b: {  	s0 =	sand.u32 $0x1, s1  }
0x8c: {  	s18 =	sshll.u32 s0, $0xA;
	s2 =	sadd.s32 s3, s2  }
0x8d: {  	s2 =	sadd.s32 s2, s18  }
0x8e: {  	[smem:$0x3FC6] =	sst s2  }
0x8f: {  	_ = 	snop  }
0x90: {  	s2 =	sld [smem:$0x3FC9]  }
0x91: {  	s19 =	sld [smem:$0x3FC8]  }
0x92: {  	s4 =	sld [smem:$0x3FD0];
	(tm) =	ssettm $0x1  }
0x93: {  	s5 =	sld [smem:$0x3FFB];
	_ =	sdelay $0x3  }
0x94: {  	_ =	strace s5  }
0x95: {  	s5 =	sld [smem:$0x3FFC];
	_ =	sdelay $0x3  }
0x96: {  	_ =	strace s5  }
0x97: {  	s5 =	sld [smem:$0x3FFD];
	_ =	sdelay $0x3  }
0x98: {  	_ =	strace s5  }
0x99: {  	_ =	strace $0x8FFFFFFF  }
0x9a: {  	s20 =	sld [smem:$0x3FDB];
	_ =	sdelay $0x1  }
0x9b: {  	s6 =	simm.s32 $_scs_section_size  }
0x9c: {  	s7 =	simm.s32 $_size__tile_overlayer_lowered;
	s8 =	simm.s32 $_tile_overlayer_lowered  }
0x9d: {  	s23 =	simm.s32 $0x1BFF;
	s22 =	sshll.u32 s8, $0x1;
	s5 =	sadd.s32 s6, s20  }
0x9e: {  	s9 =	simm.s32 $0x0;
	s21 =	sshll.u32 s7, $0x1;
	s7 =	sadd.s32 s22, s5  }
0x9f: {  	[timem:s9], [sflag:s23] =	dma.local [hbm:s7], s21  }
0xa0: {  	_ =	swait.ge [sflag:s23], s21  }
0xa1: {  	s6 =	ssub.s32 $0x0, s21;
	[sflag:s23] =	ssyncset.done $0x0  }
0xa2: {  	[sflag:s23] =	ssyncadd.s32 s6;
	_ =	sdelay $0x1  }
0xa3: {  	s24 =	simm.s32 $0x1B8B  }
0xa4: {  	_ =	swait.ge [sflag:s24], $0x1  }
0xa5: {  	[sflag:s24] =	ssyncset.done $0x0  }
0xa6: {  	s25 =	simm.s32 $0x1B8E;
	[sflag:s24] =	ssyncadd.s32 $0xFFFFFFFF  }
0xa7: {  	s26 =	simm.s32 $execute0_lowered;
	[smem:$0x3FD2] =	sst s25  }
0xa8: {  	s6 =	sshll.u32 s26, $0x1;
	_ =	strace $0x80000046;
	[dreg:$0x1] =	wrdreg $0xFFFFFFFF  }
0xa9: {  	s28 =	simm.s32 $_size_execute0_lowered;
	s5 =	sadd.s32 s5, s6;
	[dreg:$0x0] =	wrdreg $0x0  }
0xaa: {  	s6 =	sshll.u32 s28, $0x1;
	[dreg:$0x2] =	wrdreg s5  }
0xab: {  	[dreg:$0x3] =	wrdreg s6  }
0xac: {  	[dreg:$0x4] =	wrdreg $0xC0  }
0xad: {  	_ =	task [dreg:s9], $0x5FFFF  }
0xae: {  	[dreg:$0x1] =	wrdreg $0xFFFFFFFF  }
0xaf: {  	[dreg:$0x0] =	wrdreg $0x60  }
0xb0: {  	[dreg:$0x2] =	wrdreg s2  }
0xb1: {  	[dreg:$0x3] =	wrdreg s19  }
0xb2: {  	[dreg:$0x4] =	wrdreg s4  }
0xb3: {  	[dreg:$0x5] =	wrdreg $0x182000  }
0xb4: {  	[dreg:$0x6] =	wrdreg $0x9  }
0xb5: {  	_ =	task.clear_ibuf [dreg:s9], $0x7FFFF;
	_ =	strace $0x90000046  }
0xb6: {  	s29 =	simm.s32 $0x9;
	_ =	strace $0x80000048  }
0xb7: {  	_ =	swait.ge [sflag:s29], $0x1  }
0xb8: {  	[sflag:s29] =	ssyncadd.s32 $0xFFFFFFFF  }
0xb9: {  	_ =	strace $0x90000048  }
0xba: {  	_ =	sfence  }
0xbb: {  	s30 =	sld [smem:$0x0];
	_ =	sdelay $0x2  }
0xbc: {  	s31 =	sshll.u32 s1, $0xD;
	s1 =	sshrl.u32 s1, $0x2  }
0xbd: {  	s3 =	sand.u32 $0x4000, s31;
	s1 =	sadd.s32 s1, s30  }
0xbe: {  	s0 =	sor.u32 s3, s0;
	s1 =	sshll.u32 s1, $0x11  }
0xbf: {  	s0 =	sor.u32 s1, s0  }
0xc0: {  	s0 =	sadd.s32 $0x8F2B, s0  }
0xc1: {  	[sflag:s0] =	ssyncadd.remote.s32 $0x1  }
0xc2: {  	_ =	sfence.sel $0xFFFF  }
0xc3: {  	[dreg:$0x0] =	wrdreg $0xFFFFFFFF;
	(pc) =	sbr.abs _section_cstart, $3  }
0xc4: {  	[dreg:$0x1] =	wrdreg $0xFFFFFFFF  }
0xc5: {  	_ =	task.clear_ibuf [dreg:s9], $0x2FFFF;
	_ =	strace $0x9FFFFFFF  }
0xc6: {  	(tm) =	ssettm $0x7FFFFFFF  }
0xc7: {  	_ =	shalt  }
tec
execute0_lowered:
.L_overlay_start_1:
0x0: {  	(tag) =	ssettag $0x1  }
0x1: {  	s4 =	rddreg [dreg:$0x0]  }
0x2: {  	s1 =	rddreg [dreg:$0x1]  }
0x3: {  	s5 =	rddreg [dreg:$0x2]  }
0x4: {  	s2 =	rddreg [dreg:$0x3]  }
0x5: {  	s3 =	srdreg.scid;
	s0 =	rddreg [dreg:$0x4]  }
0x6: {  	s7 =	stileid.u32;
	s11 =	simm.s32 $0x8200;
	s12 =	simm.s32 $0x8100  }
0x7: {  	s13 =	simm.s32 $0x10200;
	s14 =	simm.s32 $0x1;
	s15 =	simm.s32 $0x2  }
0x8: {  	s16 =	simm.s32 $0x3;
	s17 =	simm.s32 $0x4;
	s18 =	simm.s32 $0x0  }
0x9: {  	s6 =	sand.u32 $0x1, s3;
	s3 =	simm.s32 $0x0;
	s8 =	sshll.u32 s7, $0x10  }
0xa: {  	p0 =	sne.s32 s7, $0x0;
	s9 =	sshll.u32 s6, $0xF;
	[smem:$0x7FF] =	sst s3  }
.Ltmp0:
0xb: {  	s6 =	ssub.s32 $0x2, s6;
	s7 =	sshrl.u32 @!p0 s2, $0x3;
	(pc) =	sbr.rel .LBB2_1-.Ltmp0, $4  }
0xc: {  	s8 =	sor.u32 s9, s8;
	_ =	strace $0x80000047;
	s31 =	sshrl.u32 s6, $0x1  }
0xd: {  	s9 =	simm.s32 $0x100;
	s10 =	sshrl.u32 s8, $0x3;
	s8 =	sshll.u32 s8, $0x4  }
0xe: {  	s6 =	ssub.s32 s6, s31;
	s4 =	sadd.s32 s4, s10;
	s5 =	sadd.s32 s5, s8  }
0xf: {  	v0 =	vimm.s32 $0x0;
	s6 =	smax.u32 s6, $0x1;
	s8 =	simm.s32 $0x5;
	s10 =	simm.s32 $0x8000  }
.LBB2_11:
0x10: {  	s18 =	sadd.s32 $0x1, s18  }
0x11: {  	_ =	swait.ge [sflag:s16], $0x8000;
	p1 =	sne.s32 s18, s6  }
.Ltmp1:
0x12: {  	[sflag:s16] =	ssyncset.done $0x0;
	(pc) =	sbr.rel @!p1 .LBB2_12-.Ltmp1, $4  }
0x13: {  	[sflag:s16] =	ssyncadd.s32 $0xFFFF8000  }
0x14: {  	_ =	swait.ge [sflag:s17], $0x8000  }
0x15: {  	[sflag:s17] =	ssyncset.done $0x0  }
0x16: {  	[sflag:s17] =	ssyncadd.s32 $0xFFFF8000  }
.LBB2_1:
0x17: {  	s19 =	simm.s32 @!p0 $0x1C05  }
0x18: {  	[spmem:s7], [sflag:s19] =	dma.local @!p0 [hbm:s1], $0x4000  }
0x19: {  	s19 =	simm.s32 @!p0 $0x5  }
0x1a: {  	_ =	swait.ge @!p0 [sflag:s19], $0x4000  }
0x1b: {  	[sflag:s19] =	ssyncset.done @!p0 $0x0  }
0x1c: {  	[sflag:s19] =	ssyncadd.s32 @!p0 $0xFFFFC000  }
0x1d: {  	[tilespmem:s3], [sflag:$0x5] =	stream.linear.gather [hbm4b:s4+s3], $0x8000, $0x38;
	[tilespmem:$0x1A200] =	vst v63  }
0x1e: {  	_ =	swait.ge [sflag:s8], $0x8000  }
0x1f: {  	[sflag:s8] =	ssyncset.done $0x0  }
0x20: {  	[sflag:s8] =	ssyncadd.s32 $0xFFFF8000  }
0x21: {  	s19 =	simm.s32 $0x0;
	[bflag:$0x0] =	sbarrier.arrive $0xFFFF  }
0x22: {  	v1 =	vld [tilespmem:s19+$0x0];
	_ =	sdelay $0x4  }
0x23: {  	v1 =	vmax.f32 v1, $0.0e+00  }
0x24: {  	v1 =	vmin.f32 v1, $1.000000000e+01  }
0x25: {  	v2 =	vmul.f32 $1.023000030e+02, v1  }
0x26: {  	s20 =	simm.s32 $0x10  }
0x27: {  	v3 =	vld [tilespmem:s20+$0x0];
	v4 =	vtrunc.f32 v2  }
0x28: {  	vm0 =	vgt.f32 v2, v4;
	v2 =	vcvt.f32.s32 v4  }
0x29: {  	v4 =	vsel vm0, $0x1, v0  }
0x2a: {  	v2 =	vadd.s32 v2, v4  }
0x2b: {  	vm0 =	vgt.s32 v2, $0x0  }
0x2c: {  	v3 =	vmax.f32 v3, $0.0e+00;
	v4 =	vnsel vm0, $0x0, v2  }
0x2d: {  	s21 =	simm.s32 $0x20;
	v2 =	vmin.f32 v3, $1.000000000e+01;
	v3 =	vmin.u32 v4, $0x3FF  }
0x2e: {  	v5 =	vld [tilespmem:s21+$0x0];
	v6 =	vmul.f32 $1.023000030e+02, v2;
	v7 =	vcvt.s32.f32 v3;
	_ =	sdelay $0x1  }
0x2f: {  	v8 =	vtrunc.f32 v6;
	v7 =	vmul.f32 $9.775171050e-03, v7  }
0x30: {  	s22 =	simm.s32 $0x30;
	v4 =	vmin.u32 v4, $0x3FE;
	vm0 =	vgt.f32 v6, v8;
	v6 =	vcvt.f32.s32 v8  }
0x31: {  	v9 =	vld [tilespmem:s22+$0x0];
	v4 =	vadd.s32 $0x1, v4;
	v8 =	vsel vm0, $0x1, v0;
	vm0 =	vlt.f32 v7, v1  }
0x32: {  	v5 =	vmax.f32 v5, $0.0e+00;
	v6 =	vadd.s32 v6, v8;
	v3 =	vsel vm0, v4, v3  }
0x33: {  	v4 =	vmin.f32 v5, $1.000000000e+01;
	vm0 =	vgt.s32 v6, $0x0;
	v5 =	vcvt.s32.f32 v3  }
0x34: {  	v8 =	vmul.f32 $1.023000030e+02, v4;
	v7 =	vnsel vm0, $0x0, v6  }
0x35: {  	v6 =	vmin.u32 v7, $0x3FF;
	v11 =	vadd.f32 $-1.000000000e+00, v5  }
0x36: {  	v5 =	vmax.f32 v9, $0.0e+00;
	v10 =	vtrunc.f32 v8;
	v9 =	vcvt.s32.f32 v6  }
0x37: {  	s23 =	simm.s32 $0x100;
	v5 =	vmin.f32 v5, $1.000000000e+01;
	vm0 =	vgt.f32 v8, v10;
	v8 =	vmul.f32 $9.775171050e-03, v11  }
.LBB2_2:
0x38: {  	p1 =	sne.s32 s23, $0x3C0;
	v10 =	vcvt.f32.s32 v10;
	v11 =	vsel vm0, $0x1, v0;
	v9 =	vmul.f32 $9.775171050e-03, v9  }
0x39: {  	s24 =	sshra.s32 s23, $0x2;
	v7 =	vmin.u32 v7, $0x3FE;
	vm0 =	vne.s32 v3, $0x0;
	vm1 =	vge.f32 v8, v1;
	v1 =	vmovc v2;
	v2 =	vmovc v4  }
0x3a: {  	v7 =	vadd.s32 $0x1, v7;
	v4 =	vmovc v5;
	v8 =	vld [tilespmem:s24+$0x0];
	vm2 =	vlt.f32 v9, v1;
	vm0 =	vmand vm0, vm1  }
0x3b: {  	v5 =	vadd.s32 v10, v11;
	v6 =	vsel vm2, v7, v6;
	v7 =	vsel vm0, $0xFFFFFFFF, v0  }
.Ltmp2:
0x3c: {  	vm0 =	vgt.s32 v5, $0x0;
	v9 =	vcvt.s32.f32 v6;
	v10 =	vadd.s32 v7, v3;
	v3 =	vmovc v6;
	(pc) =	sbr.rel @p1 .LBB2_2-.Ltmp2, $4  }
0x3d: {  	v11 =	vmul.f32 $1.023000030e+02, v4;
	v7 =	vnsel vm0, $0x0, v5;
	[tilespmem:s19+$0x8000] =	vst v10;
	s19 =	smov.u32 s20;
	s20 =	smov.u32 s21;
	s21 =	smov.u32 s22  }
0x3e: {  	v6 =	vmin.u32 v7, $0x3FF;
	s22 =	smov.u32 s24;
	v12 =	vadd.f32 $-1.000000000e+00, v9  }
0x3f: {  	v10 =	vtrunc.f32 v11;
	v9 =	vcvt.s32.f32 v6;
	v5 =	vmax.f32 v8, $0.0e+00  }
0x40: {  	s23 =	sadd.s32 $0x40, s23;
	vm0 =	vgt.f32 v11, v10;
	v5 =	vmin.f32 v5, $1.000000000e+01;
	v8 =	vmul.f32 $9.775171050e-03, v12  }
0x41: {  	v11 =	vmul.f32 $1.023000030e+02, v5;
	_ =	sdelay $0x1  }
0x42: {  	v10 =	vcvt.f32.s32 v10;
	v13 =	vtrunc.f32 v11  }
0x43: {  	v12 =	vsel vm0, $0x1, v0;
	vm15 =	vgt.f32 v11, v13;
	v50 =	vcvt.f32.s32 v13  }
0x44: {  	v10 =	vadd.s32 v10, v12;
	v51 =	vsel vm15, $0x1, v0  }
0x45: {  	vm1 =	vgt.s32 v10, $0x0;
	v11 =	vadd.s32 v50, v51  }
0x46: {  	v10 =	vnsel vm1, $0x0, v10;
	vm4 =	vgt.s32 v11, $0x0  }
0x47: {  	v9 =	vmul.f32 $9.775171050e-03, v9;
	v52 =	vmin.u32 v10, $0x3FF;
	v11 =	vnsel vm4, $0x0, v11  }
0x48: {  	v7 =	vmin.u32 v7, $0x3FE;
	v53 =	vcvt.s32.f32 v52;
	v54 =	vmin.u32 v11, $0x3FF  }
0x49: {  	v7 =	vadd.s32 $0x1, v7;
	vm5 =	vlt.f32 v9, v2;
	v14 =	vcvt.s32.f32 v54  }
0x4a: {  	v6 =	vsel vm5, v7, v6;
	v13 =	vmul.f32 $9.775171050e-03, v53  }
0x4b: {  	v57 =	vcvt.s32.f32 v6;
	v55 =	vmin.u32 v10, $0x3FE;
	v56 =	vmul.f32 $9.775171050e-03, v14  }
0x4c: {  	v7 =	vadd.s32 $0x1, v55;
	v11 =	vmin.u32 v11, $0x3FE;
	vm6 =	vlt.f32 v13, v4  }
0x4d: {  	v58 =	vadd.s32 $0x1, v11;
	v7 =	vsel vm6, v7, v52;
	vm7 =	vlt.f32 v56, v5  }
0x4e: {  	v59 =	vadd.f32 $-1.000000000e+00, v57;
	v60 =	vcvt.s32.f32 v7;
	v9 =	vsel vm7, v58, v54  }
0x4f: {  	vm8 =	vne.s32 v3, $0x0;
	vm9 =	vge.f32 v8, v1;
	v1 =	vcvt.s32.f32 v9  }
0x50: {  	vm0 =	vmand vm8, vm9;
	v61 =	vmul.f32 $9.775171050e-03, v59;
	v10 =	vadd.f32 $-1.000000000e+00, v60  }
0x51: {  	v62 =	vsel vm0, $0xFFFFFFFF, v0;
	v1 =	vadd.f32 $-1.000000000e+00, v1  }
0x52: {  	vm10 =	vne.s32 v6, $0x0;
	vm11 =	vge.f32 v61, v2;
	v2 =	vmul.f32 $9.775171050e-03, v10  }
0x53: {  	v3 =	vadd.s32 v62, v3;
	vm0 =	vmand vm10, vm11;
	v1 =	vmul.f32 $9.775171050e-03, v1  }
0x54: {  	v63 =	vsel vm0, $0xFFFFFFFF, v0;
	vm12 =	vne.s32 v7, $0x0;
	vm13 =	vge.f32 v2, v4  }
0x55: {  	vm14 =	vne.s32 v9, $0x0;
	vm0 =	vmand vm12, vm13;
	vm2 =	vge.f32 v1, v5  }
.Ltmp3:
0x56: {  	[tilespmem:s19+$0x8000] =	vst v3;
	v2 =	vsel vm0, $0xFFFFFFFF, v0;
	v1 =	vadd.s32 v63, v6;
	vm15 =	vmand vm14, vm2;
	(pc) =	sbr.rel .LBB2_4-.Ltmp3, $4  }
0x57: {  	[tilespmem:s20+$0x8000] =	vst v1;
	v1 =	vadd.s32 v2, v7;
	v2 =	vsel vm15, $0xFFFFFFFF, v0  }
0x58: {  	[tilespmem:s21+$0x8000] =	vst v1;
	v1 =	vadd.s32 v2, v9  }
0x59: {  	s19 =	simm.s32 $0x0;
	s20 =	simm.s32 $0x0;
	[tilespmem:s22+$0x8000] =	vst v1  }
0x5a: {  	[tilespmem:s11], [sflag:$0x1] =	stream.indirect.gather [spmem:s2], $0x80, s10, s9, $0xb8;
	[tilespmem:$0x1A200] =	vst v63  }
.LBB2_10:
0x5b: {  	s20 =	sadd.s32 $0x1, s20  }
0x5c: {  	p1 =	sne.s32 s20, $0x40  }
.Ltmp4:
0x5d: {  	_ = 	snop;
	(pc) =	sbr.rel @!p1 .LBB2_11-.Ltmp4, $4  }
0x5e: {  	_ =	swait.ge [sflag:s15], $0x8000  }
0x5f: {  	s21 =	sshll.u32 s21, $0xC;
	[sflag:s15] =	ssyncset.done $0x0  }
0x60: {  	s21 =	sadd.s32 s21, s5;
	[sflag:s15] =	ssyncadd.s32 $0xFFFF8000  }
0x61: {  	[hbm4b:s21+s3] =	stream.linear.scatter [tilespmem:s13], [sflag:$0x4], $0x8000, $0x38;
	[tilespmem:$0x1A200] =	vst v63  }
.LBB2_4:
0x62: {  	s21 =	sshllo.u32 s20, $0x1  }
0x63: {  	s22 =	sshll.u32 s21, $0x8  }
0x64: {  	s23 =	sand.u32 $0x80, s19;
	s22 =	sand.u32 $0x3FFFFF00, s22  }
0x65: {  	s24 =	sand.u32 $0x70, s19;
	s23 =	sadd.s32 s23, s22  }
0x66: {  	s23 =	sadd.s32 s24, s23  }
0x67: {  	v1 =	vld [tilespmem:s23+$0x0];
	_ =	sdelay $0x4  }
0x68: {  	v1 =	vmax.f32 v1, $0.0e+00  }
0x69: {  	v2 =	vmin.f32 v1, $1.000000000e+01  }
0x6a: {  	v1 =	vmul.f32 $1.023000030e+02, v2;
	_ =	sdelay $0x1  }
0x6b: {  	v3 =	vtrunc.f32 v1  }
0x6c: {  	v4 =	vcvt.f32.s32 v3;
	vm0 =	vgt.f32 v1, v3  }
0x6d: {  	v1 =	vsel vm0, $0x1, v0  }
0x6e: {  	v1 =	vadd.s32 v4, v1  }
0x6f: {  	vm14 =	vgt.s32 v1, $0x0  }
0x70: {  	v1 =	vnsel vm14, $0x0, v1  }
0x71: {  	v3 =	vmin.u32 v1, $0x3FF  }
0x72: {  	v63 =	vcvt.s32.f32 v3;
	_ =	sdelay $0x1  }
0x73: {  	v4 =	vmul.f32 $9.775171050e-03, v63  }
0x74: {  	v1 =	vmin.u32 v1, $0x3FE  }
0x75: {  	v1 =	vadd.s32 $0x1, v1;
	vm15 =	vlt.f32 v4, v2  }
0x76: {  	v1 =	vsel vm15, v1, v3  }
0x77: {  	v3 =	vcvt.s32.f32 v1;
	_ =	sdelay $0x1  }
0x78: {  	v3 =	vadd.f32 $-1.000000000e+00, v3;
	_ =	sdelay $0x1  }
0x79: {  	v3 =	vmul.f32 $9.775171050e-03, v3;
	_ =	sdelay $0x1  }
0x7a: {  	vm0 =	vne.s32 v1, $0x0;
	vm1 =	vge.f32 v3, v2  }
0x7b: {  	s25 =	simm.s32 $0x10;
	vm0 =	vmand vm0, vm1  }
0x7c: {  	s26 =	sand.u32 $0x80, s25;
	s24 =	simm.s32 $0x20;
	s23 =	simm.s32 $0x8100;
	v2 =	vsel vm0, $0xFFFFFFFF, v0  }
.LBB2_5:
0x7d: {  	p1 =	sne.s32 s24, $0xF0;
	s25 =	sand.u32 $0x70, s25;
	s26 =	sadd.s32 s26, s22;
	v1 =	vadd.s32 v2, v1  }
0x7e: {  	s26 =	sadd.s32 s25, s26;
	[tilespmem:s23+$0x0] =	vst v1;
	s25 =	smov.u32 s24  }
0x7f: {  	v1 =	vld [tilespmem:s26+$0x0];
	_ =	sdelay $0x4  }
0x80: {  	v1 =	vmax.f32 v1, $0.0e+00  }
0x81: {  	v2 =	vmin.f32 v1, $1.000000000e+01  }
0x82: {  	v1 =	vmul.f32 $1.023000030e+02, v2;
	_ =	sdelay $0x1  }
0x83: {  	v3 =	vtrunc.f32 v1  }
0x84: {  	v4 =	vcvt.f32.s32 v3;
	vm0 =	vgt.f32 v1, v3  }
0x85: {  	v1 =	vsel vm0, $0x1, v0  }
0x86: {  	v1 =	vadd.s32 v4, v1  }
0x87: {  	vm0 =	vgt.s32 v1, $0x0  }
0x88: {  	v1 =	vnsel vm0, $0x0, v1  }
0x89: {  	v3 =	vmin.u32 v1, $0x3FF  }
0x8a: {  	v4 =	vcvt.s32.f32 v3;
	_ =	sdelay $0x1  }
0x8b: {  	v4 =	vmul.f32 $9.775171050e-03, v4  }
0x8c: {  	v1 =	vmin.u32 v1, $0x3FE  }
0x8d: {  	v1 =	vadd.s32 $0x1, v1;
	vm0 =	vlt.f32 v4, v2  }
0x8e: {  	v1 =	vsel vm0, v1, v3  }
0x8f: {  	v3 =	vcvt.s32.f32 v1;
	_ =	sdelay $0x1  }
0x90: {  	v3 =	vadd.f32 $-1.000000000e+00, v3;
	_ =	sdelay $0x1  }
.Ltmp5:
0x91: {  	v3 =	vmul.f32 $9.775171050e-03, v3;
	(pc) =	sbr.rel @p1 .LBB2_5-.Ltmp5, $4  }
0x92: {  	_ = 	snop  }
0x93: {  	vm0 =	vne.s32 v1, $0x0;
	vm1 =	vge.f32 v3, v2  }
0x94: {  	vm0 =	vmand vm0, vm1  }
0x95: {  	s24 =	sadd.s32 $0x10, s24;
	s23 =	sadd.s32 $0x10, s23;
	s26 =	sand.u32 $0x80, s25;
	v2 =	vsel vm0, $0xFFFFFFFF, v0  }
0x96: {  	s24 =	sand.u32 $0x70, s25;
	s22 =	sadd.s32 s26, s22;
	v1 =	vadd.s32 v2, v1  }
0x97: {  	s22 =	sadd.s32 s24, s22;
	[tilespmem:s23+$0x0] =	vst v1  }
0x98: {  	v1 =	vld [tilespmem:s22+$0x0];
	_ =	sdelay $0x4  }
0x99: {  	v1 =	vmax.f32 v1, $0.0e+00  }
0x9a: {  	v1 =	vmin.f32 v1, $1.000000000e+01  }
0x9b: {  	v2 =	vmul.f32 $1.023000030e+02, v1;
	_ =	sdelay $0x1  }
0x9c: {  	v3 =	vtrunc.f32 v2  }
0x9d: {  	v4 =	vcvt.f32.s32 v3;
	vm0 =	vgt.f32 v2, v3  }
0x9e: {  	v2 =	vsel vm0, $0x1, v0  }
0x9f: {  	v2 =	vadd.s32 v4, v2  }
0xa0: {  	vm14 =	vgt.s32 v2, $0x0  }
0xa1: {  	v2 =	vnsel vm14, $0x0, v2  }
0xa2: {  	v3 =	vmin.u32 v2, $0x3FF  }
0xa3: {  	v63 =	vcvt.s32.f32 v3;
	_ =	sdelay $0x1  }
0xa4: {  	v4 =	vmul.f32 $9.775171050e-03, v63  }
0xa5: {  	v2 =	vmin.u32 v2, $0x3FE  }
0xa6: {  	v2 =	vadd.s32 $0x1, v2;
	vm15 =	vlt.f32 v4, v1  }
0xa7: {  	v2 =	vsel vm15, v2, v3  }
0xa8: {  	v3 =	vcvt.s32.f32 v2;
	_ =	sdelay $0x1  }
0xa9: {  	v3 =	vadd.f32 $-1.000000000e+00, v3;
	_ =	sdelay $0x1  }
0xaa: {  	v3 =	vmul.f32 $9.775171050e-03, v3;
	_ =	sdelay $0x1  }
0xab: {  	vm0 =	vne.s32 v2, $0x0;
	vm1 =	vge.f32 v3, v1  }
0xac: {  	vm0 =	vmand vm0, vm1  }
0xad: {  	v1 =	vsel vm0, $0xFFFFFFFF, v0  }
0xae: {  	s30 =	sadd.s32 $0x10, s23;
	p1 =	seq.s32 s20, $0x0;
	v1 =	vadd.s32 v1, v2  }
0xaf: {  	s22 =	simm.s32 @!p1 $0x4;
	[tilespmem:s30+$0x0] =	vst v1  }
0xb0: {  	_ =	swait.ge @!p1 [sflag:s22], $0x8000  }
0xb1: {  	[sflag:s22] =	ssyncset.done @!p1 $0x0  }
0xb2: {  	[sflag:s22] =	ssyncadd.s32 @!p1 $0xFFFF8000;
	p1 =	seq.s32 s20, $0x3F  }
0xb3: {  	[tilespmem:s13], [sflag:$0x2] =	stream.indirect.gather [spmem:s2], $0x80, s12, s9, $0xb8;
	[tilespmem:$0x1A200] =	vst v63  }
.Ltmp6:
0xb4: {  	_ = 	snop;
	(pc) =	sbr.rel @p1 .LBB2_10-.Ltmp6, $4  }
0xb5: {  	_ =	swait.ge [sflag:s14], $0x8000  }
0xb6: {  	s31 =	sshll.u32 s20, $0xD;
	[sflag:s14] =	ssyncset.done $0x0  }
0xb7: {  	s22 =	sadd.s32 s31, s5;
	[sflag:s14] =	ssyncadd.s32 $0xFFFF8000  }
0xb8: {  	[hbm4b:s22+s3] =	stream.linear.scatter [tilespmem:s11], [sflag:$0x3], $0x8000, $0x38;
	[tilespmem:$0x1A200] =	vst v63  }
0xb9: {  	s22 =	sshll.u32 s20, $0x9  }
0xba: {  	s23 =	simm.s32 $0x0;
	s22 =	sand.u32 $0x3FFFFE00, s22  }
0xbb: {  	s24 =	sand.u32 $0x80, s23;
	s22 =	sadd.s32 $0x200, s22  }
0xbc: {  	s23 =	sand.u32 $0x70, s23;
	s24 =	sadd.s32 s24, s22  }
0xbd: {  	s23 =	sadd.s32 s23, s24  }
0xbe: {  	v1 =	vld [tilespmem:s23+$0x0];
	_ =	sdelay $0x4  }
0xbf: {  	v1 =	vmax.f32 v1, $0.0e+00  }
0xc0: {  	v2 =	vmin.f32 v1, $1.000000000e+01  }
0xc1: {  	v1 =	vmul.f32 $1.023000030e+02, v2;
	_ =	sdelay $0x1  }
0xc2: {  	v3 =	vtrunc.f32 v1  }
0xc3: {  	v4 =	vcvt.f32.s32 v3;
	vm0 =	vgt.f32 v1, v3  }
0xc4: {  	v1 =	vsel vm0, $0x1, v0  }
0xc5: {  	v1 =	vadd.s32 v4, v1  }
0xc6: {  	vm14 =	vgt.s32 v1, $0x0  }
0xc7: {  	v1 =	vnsel vm14, $0x0, v1  }
0xc8: {  	v3 =	vmin.u32 v1, $0x3FF  }
0xc9: {  	v63 =	vcvt.s32.f32 v3;
	_ =	sdelay $0x1  }
0xca: {  	v4 =	vmul.f32 $9.775171050e-03, v63  }
0xcb: {  	v1 =	vmin.u32 v1, $0x3FE  }
0xcc: {  	v1 =	vadd.s32 $0x1, v1;
	vm15 =	vlt.f32 v4, v2  }
0xcd: {  	v1 =	vsel vm15, v1, v3  }
0xce: {  	v3 =	vcvt.s32.f32 v1;
	_ =	sdelay $0x1  }
0xcf: {  	v3 =	vadd.f32 $-1.000000000e+00, v3;
	_ =	sdelay $0x1  }
0xd0: {  	v3 =	vmul.f32 $9.775171050e-03, v3;
	_ =	sdelay $0x1  }
0xd1: {  	vm0 =	vne.s32 v1, $0x0;
	vm1 =	vge.f32 v3, v2  }
0xd2: {  	s25 =	simm.s32 $0x10;
	vm0 =	vmand vm0, vm1  }
0xd3: {  	s26 =	sand.u32 $0x80, s25;
	s24 =	simm.s32 $0x20;
	s23 =	simm.s32 $0x8000;
	v2 =	vsel vm0, $0xFFFFFFFF, v0  }
.LBB2_8:
0xd4: {  	p1 =	sne.s32 s24, $0xF0;
	s25 =	sand.u32 $0x70, s25;
	s26 =	sadd.s32 s26, s22;
	v1 =	vadd.s32 v2, v1  }
0xd5: {  	s26 =	sadd.s32 s25, s26;
	[tilespmem:s23+$0x0] =	vst v1;
	s25 =	smov.u32 s24  }
0xd6: {  	v1 =	vld [tilespmem:s26+$0x0];
	_ =	sdelay $0x4  }
0xd7: {  	v1 =	vmax.f32 v1, $0.0e+00  }
0xd8: {  	v2 =	vmin.f32 v1, $1.000000000e+01  }
0xd9: {  	v1 =	vmul.f32 $1.023000030e+02, v2;
	_ =	sdelay $0x1  }
0xda: {  	v3 =	vtrunc.f32 v1  }
0xdb: {  	v4 =	vcvt.f32.s32 v3;
	vm0 =	vgt.f32 v1, v3  }
0xdc: {  	v1 =	vsel vm0, $0x1, v0  }
0xdd: {  	v1 =	vadd.s32 v4, v1  }
0xde: {  	vm0 =	vgt.s32 v1, $0x0  }
0xdf: {  	v1 =	vnsel vm0, $0x0, v1  }
0xe0: {  	v3 =	vmin.u32 v1, $0x3FF  }
0xe1: {  	v4 =	vcvt.s32.f32 v3;
	_ =	sdelay $0x1  }
0xe2: {  	v4 =	vmul.f32 $9.775171050e-03, v4  }
0xe3: {  	v1 =	vmin.u32 v1, $0x3FE  }
0xe4: {  	v1 =	vadd.s32 $0x1, v1;
	vm0 =	vlt.f32 v4, v2  }
0xe5: {  	v1 =	vsel vm0, v1, v3  }
0xe6: {  	v3 =	vcvt.s32.f32 v1;
	_ =	sdelay $0x1  }
0xe7: {  	v3 =	vadd.f32 $-1.000000000e+00, v3;
	_ =	sdelay $0x1  }
.Ltmp7:
0xe8: {  	v3 =	vmul.f32 $9.775171050e-03, v3;
	(pc) =	sbr.rel @p1 .LBB2_8-.Ltmp7, $4  }
0xe9: {  	_ = 	snop  }
0xea: {  	vm0 =	vne.s32 v1, $0x0;
	vm1 =	vge.f32 v3, v2  }
0xeb: {  	vm0 =	vmand vm0, vm1  }
0xec: {  	s24 =	sadd.s32 $0x10, s24;
	s23 =	sadd.s32 $0x10, s23;
	s26 =	sand.u32 $0x80, s25;
	v2 =	vsel vm0, $0xFFFFFFFF, v0  }
0xed: {  	s24 =	sand.u32 $0x70, s25;
	s22 =	sadd.s32 s26, s22;
	v1 =	vadd.s32 v2, v1  }
0xee: {  	s22 =	sadd.s32 s24, s22;
	[tilespmem:s23+$0x0] =	vst v1  }
0xef: {  	v1 =	vld [tilespmem:s22+$0x0];
	_ =	sdelay $0x4  }
0xf0: {  	v1 =	vmax.f32 v1, $0.0e+00  }
0xf1: {  	v1 =	vmin.f32 v1, $1.000000000e+01  }
0xf2: {  	v2 =	vmul.f32 $1.023000030e+02, v1;
	_ =	sdelay $0x1  }
0xf3: {  	v3 =	vtrunc.f32 v2  }
0xf4: {  	v4 =	vcvt.f32.s32 v3;
	vm0 =	vgt.f32 v2, v3  }
0xf5: {  	v2 =	vsel vm0, $0x1, v0  }
0xf6: {  	v2 =	vadd.s32 v4, v2  }
0xf7: {  	vm14 =	vgt.s32 v2, $0x0  }
0xf8: {  	v2 =	vnsel vm14, $0x0, v2  }
0xf9: {  	v3 =	vmin.u32 v2, $0x3FF  }
0xfa: {  	v63 =	vcvt.s32.f32 v3;
	_ =	sdelay $0x1  }
0xfb: {  	v4 =	vmul.f32 $9.775171050e-03, v63  }
0xfc: {  	v2 =	vmin.u32 v2, $0x3FE  }
0xfd: {  	v2 =	vadd.s32 $0x1, v2;
	vm15 =	vlt.f32 v4, v1  }
0xfe: {  	v2 =	vsel vm15, v2, v3  }
0xff: {  	v3 =	vcvt.s32.f32 v2;
	_ =	sdelay $0x1  }
0x100: {  	v3 =	vadd.f32 $-1.000000000e+00, v3;
	_ =	sdelay $0x1  }
0x101: {  	v3 =	vmul.f32 $9.775171050e-03, v3;
	_ =	sdelay $0x1  }
0x102: {  	vm0 =	vne.s32 v2, $0x0;
	vm1 =	vge.f32 v3, v1  }
0x103: {  	vm0 =	vmand vm0, vm1  }
0x104: {  	v1 =	vsel vm0, $0xFFFFFFFF, v0  }
0x105: {  	s31 =	sadd.s32 $0x10, s23;
	v1 =	vadd.s32 v1, v2  }
.Ltmp8:
0x106: {  	[tilespmem:s31+$0x0] =	vst v1;
	(pc) =	sbr.rel .LBB2_10-.Ltmp8, $4  }
0x107: {  	_ =	swait.ge [sflag:s16], $0x8000  }
0x108: {  	[sflag:s16] =	ssyncset.done $0x0  }
0x109: {  	[sflag:s16] =	ssyncadd.s32 $0xFFFF8000  }
0x10a: {  	[tilespmem:s11], [sflag:$0x1] =	stream.indirect.gather [spmem:s2], $0x80, s10, s9, $0xb8;
	[tilespmem:$0x1A200] =	vst v63  }
.LBB2_12:
0x10b: {  	_ =	sfence.sel $0x180000  }
0x10c: {  	[bflag:$0x0] =	sbarrier.arrive $0xFFFF  }
0x10d: {  	_ =	strace $0x90000047  }
0x10e: {  	s0 =	sadd.s32 @!p0 $0x100000, s0;
	[bflag:$0x2] =	sbarrier.arrive $0xFFFF  }
0x10f: {  	[sflag:s0] =	ssyncadd.tile.s32 @!p0 $0x1;
	_ =	shalt  }
.Lfunc_end2:
_tile_overlayer_lowered:
.L_overlay_start_2:
0x110: {  	(tag) =	ssettag $0x2  }
0x111: {  	s0 =	rddreg [dreg:$0x0];
	s2 =	stileid.u32  }
0x112: {  	s1 =	rddreg [dreg:$0x1];
	p0 =	sne.s32 s2, $0x0  }
0x113: {  	s3 =	rddreg [dreg:$0x2];
	[bflag:$0x3] =	sbarrier.arrive $0xFFFF;
	s2 =	simm.s32 @!p0 $0x1C05  }
0x114: {  	[timem:s3], [sflag:s2] =	dma.local @!p0 [hbm:s0], s1  }
0x115: {  	s0 =	simm.s32 @!p0 $0x5  }
0x116: {  	_ =	swait.ge @!p0 [sflag:s0], s1  }
0x117: {  	s1 =	ssub.s32 @!p0 $0x0, s1;
	[sflag:s0] =	ssyncset.done @!p0 $0x0  }
0x118: {  	[sflag:s0] =	ssyncadd.s32 @!p0 s1  }
0x119: {  	[bflag:$0x3] =	sbarrier.arrive $0xFFFF  }
0x11a: {  	_ =	shalt  }

</sc_bundles>
